<compile_context>
chip_gen: v7x
topology: tpu7x:2x2x1
jax: 0.10.2.dev20260603
libtpu: 0.0.44.dev20260713+nightly
codegen_flags: <defaults>
</compile_context>

<pallas_src>
import functools

import jax
import jax.numpy as jnp
import numpy as np
from jax import lax
from jax.experimental import pallas as pl
from jax.experimental.pallas import tpu as pltpu
from jax.experimental.pallas import tpu_sc as plsc

N_B, C_IN, T_LEN = 8, 20, 16384
C_FEAT, KERNEL, STRIDE = 256, 64, 64
L = T_LEN // STRIDE
N_HEADS, DH = 8, 32
TEMP, NUM_NEG, EPS = 0.5, 100, 1e-8
P_TOK = 384
LW = 264
JPAD = 112
ROWS = N_B * L
N_TILES = 32
RPT = ROWS // N_TILES


def _eval_mask_np():
    mask = np.zeros((N_B, L), dtype=bool)
    half = max(1, int(L * 0.1 * 0.5))
    seeds = (L // half) * np.arange(half, dtype=np.int64)
    inds = set()
    for s in seeds:
        for i in range(int(s), int(s) + 6):
            if i < L:
                inds.add(i)
    mask[:, sorted(inds)] = True
    return mask


_MASK_NP = _eval_mask_np()



def _tc_body(x_ref, wc_ref, bc_ref, mt_ref, st_ref, mcol_ref, wqkv_ref,
             wo_ref, zT_ref, coT_ref, m_ref):
    f32 = jnp.float32
    xb = x_ref[0]
    wc = wc_ref[...]
    acc = None
    for g in range(C_IN // 4):
        xg = jnp.concatenate(
            [xb[(4 * g + i) * L:(4 * g + i + 1) * L, :] for i in range(4)],
            axis=1)
        wg = wc[:, 256 * g:256 * (g + 1)]
        t = lax.dot_general(xg, wg, (((1,), (1,)), ((), ())),
                            preferred_element_type=f32)
        acc = t if acc is None else acc + t
    zt = jax.nn.gelu(acc + bc_ref[...])
    zT_ref[0] = zt.T

    mcol = mcol_ref[...]
    tokmid = zt * (1.0 - mcol) + mt_ref[...] * mcol
    tok = jnp.concatenate(
        [st_ref[...], tokmid, jnp.zeros((P_TOK - 1 - L, C_FEAT), f32)],
        axis=0)
    qkv = jnp.dot(tok, wqkv_ref[...], preferred_element_type=f32)
    q = qkv[:, 0:C_FEAT]
    k = qkv[:, C_FEAT:2 * C_FEAT]
    v = qkv[:, 2 * C_FEAT:3 * C_FEAT]

    scale = f32(1.0 / np.sqrt(DH))
    o_parts = []
    for h in range(N_HEADS):
        sl = slice(h * DH, (h + 1) * DH)
        qh, kh, vh = q[:, sl], k[:, sl], v[:, sl]
        sc = lax.dot_general(qh, kh, (((1,), (1,)), ((), ())),
                             preferred_element_type=f32) * scale
        e = jnp.exp(sc)
        s = jnp.sum(e, axis=1, keepdims=True) - f32(P_TOK - 1 - L)
        ev = jnp.dot(e, vh, preferred_element_type=f32)
        o_parts.append(ev / s)
    o = jnp.concatenate(o_parts, axis=1)

    wo = wo_ref[...]
    co = jnp.dot(o, wo, preferred_element_type=f32)
    coT = lax.dot_general(wo, o, (((0,), (1,)), ((), ())),
                          preferred_element_type=f32)
    coT_ref[0] = coT[:, :L + 1]

    cq = co[1:L + 1, :]
    S = lax.dot_general(cq, zt, (((1,), (1,)), ((), ())),
                        preferred_element_type=f32)
    ones = jnp.ones((1, L), f32)
    zn2 = lax.dot_general(ones, zt * zt, (((1,), (1,)), ((), ())),
                          preferred_element_type=f32)
    cq2 = jnp.sum(cq * cq, axis=1, keepdims=True)
    den = jnp.maximum(jnp.sqrt(cq2) * jnp.sqrt(zn2), f32(EPS))
    Sp = S / den * f32(1.0 / TEMP)
    T = cq2 + zn2 - 2.0 * S
    eqm = T < (cq2 + zn2) * f32(1e-6)
    Mneg = jnp.where(eqm, f32(-jnp.inf), Sp)
    eye = (lax.broadcasted_iota(jnp.int32, (L, L), 0)
           == lax.broadcasted_iota(jnp.int32, (L, L), 1))
    diag = jnp.sum(jnp.where(eye, Sp, f32(0.0)), axis=1, keepdims=True)
    m_ref[0] = jnp.concatenate(
        [Mneg, diag, jnp.zeros((L, LW - L - 1), f32)], axis=1)


def _tc(xr, wc, bc, mt, st, mcol, wqkv, wo):
    return pl.pallas_call(
        _tc_body,
        grid=(N_B,),
        in_specs=[
            pl.BlockSpec((1, C_IN * L, KERNEL), lambda i: (i, 0, 0)),
            pl.BlockSpec((C_FEAT, C_IN * KERNEL), lambda i: (0, 0)),
            pl.BlockSpec((1, C_FEAT), lambda i: (0, 0)),
            pl.BlockSpec((1, C_FEAT), lambda i: (0, 0)),
            pl.BlockSpec((1, C_FEAT), lambda i: (0, 0)),
            pl.BlockSpec((L, 1), lambda i: (0, 0)),
            pl.BlockSpec((C_FEAT, 3 * C_FEAT), lambda i: (0, 0)),
            pl.BlockSpec((C_FEAT, C_FEAT), lambda i: (0, 0)),
        ],
        out_specs=[
            pl.BlockSpec((1, C_FEAT, L), lambda i: (i, 0, 0)),
            pl.BlockSpec((1, C_FEAT, L + 1), lambda i: (i, 0, 0)),
            pl.BlockSpec((1, L, LW), lambda i: (i, 0, 0)),
        ],
        out_shape=[
            jax.ShapeDtypeStruct((N_B, C_FEAT, L), jnp.float32),
            jax.ShapeDtypeStruct((N_B, C_FEAT, L + 1), jnp.float32),
            jax.ShapeDtypeStruct((N_B, L, LW), jnp.float32),
        ],
        compiler_params=pltpu.CompilerParams(
            dimension_semantics=("arbitrary",)),
    )(xr, wc, bc, mt, st, mcol, wqkv, wo)



_WORDS_M = RPT * LW
_WORDS_J = RPT * JPAD


@functools.cache
def _sc_gather_kernel():
    mesh = plsc.VectorSubcoreMesh(core_axis_name="c", subcore_axis_name="s")

    @functools.partial(
        pl.kernel,
        mesh=mesh,
        out_type=jax.ShapeDtypeStruct((ROWS * JPAD,), jnp.float32),
        scratch_types=[
            pltpu.VMEM((_WORDS_M,), jnp.float32),
            pltpu.VMEM((_WORDS_J,), jnp.int32),
            pltpu.VMEM((_WORDS_J,), jnp.float32),
        ],
        compiler_params=pltpu.CompilerParams(needs_layout_passes=False),
    )
    def sc_gather(m_hbm, neg_hbm, out_hbm, m_v, neg_v, out_v):
        nc = 2
        wid = lax.axis_index("s") * nc + lax.axis_index("c")
        pltpu.sync_copy(m_hbm.at[pl.ds(wid * _WORDS_M, _WORDS_M)], m_v)
        pltpu.sync_copy(neg_hbm.at[pl.ds(wid * _WORDS_J, _WORDS_J)], neg_v)

        def body(r, carry):
            rb = r * JPAD
            off = r * LW
            for j in range(JPAD // 16):
                idx = neg_v[pl.ds(rb + 16 * j, 16)] + off
                out_v[pl.ds(rb + 16 * j, 16)] = plsc.load_gather(m_v, [idx])
            return carry

        lax.fori_loop(0, RPT, body, 0)
        pltpu.sync_copy(out_v, out_hbm.at[pl.ds(wid * _WORDS_J, _WORDS_J)])

    return sc_gather




def _rotl32(x, r):
    return ((x << np.uint32(r)) | (x >> np.uint32(32 - r))).astype(np.uint32)


def _threefry2x32_raw(k1, k2, x1, x2):
    x = [x1.astype(np.uint32).copy(), x2.astype(np.uint32).copy()]
    k1, k2 = np.uint32(k1), np.uint32(k2)
    ks = [k1, k2, np.uint32(k1 ^ k2 ^ np.uint32(0x1BD11BDA))]
    rotations = [(13, 15, 26, 6), (17, 29, 16, 24)]
    with np.errstate(over="ignore"):
        x[0] = (x[0] + ks[0]).astype(np.uint32)
        x[1] = (x[1] + ks[1]).astype(np.uint32)
        for i in range(5):
            for r in rotations[i % 2]:
                x[0] = (x[0] + x[1]).astype(np.uint32)
                x[1] = _rotl32(x[1], r)
                x[1] = (x[1] ^ x[0]).astype(np.uint32)
            x[0] = (x[0] + ks[(i + 1) % 3]).astype(np.uint32)
            x[1] = (x[1] + ks[(i + 2) % 3] + np.uint32(i + 1)).astype(np.uint32)
    return x[0], x[1]


def _threefry2x32_flat(k1, k2, count):
    odd = count.size % 2
    flat = count.ravel().astype(np.uint32)
    if odd:
        flat = np.concatenate([flat, np.zeros(1, np.uint32)])
    h = flat.size // 2
    b1, b2 = _threefry2x32_raw(k1, k2, flat[:h], flat[h:])
    out = np.concatenate([b1, b2])
    if odd:
        out = out[:-1]
    return out


def _np_randint_0_255(shape, seed=1):
    try:
        import jax._src.config as _jc
        partitionable = bool(_jc.threefry_partitionable.value)
    except Exception:
        partitionable = True
    kh = np.uint32(np.uint64(seed) >> np.uint64(32))
    kl = np.uint32(seed & 0xFFFFFFFF)
    n = int(np.prod(shape))
    if partitionable:
        b1, b2 = _threefry2x32_raw(kh, kl, np.zeros(2, np.uint32),
                                   np.arange(2, dtype=np.uint32))
        sk1, sk2 = (b1[0], b2[0]), (b1[1], b2[1])

        def bits(k):
            c1 = np.zeros(n, np.uint32)
            c2 = np.arange(n, dtype=np.uint32)
            o1, o2 = _threefry2x32_raw(k[0], k[1], c1, c2)
            return (o1 ^ o2).astype(np.uint32)
    else:
        ks = _threefry2x32_flat(kh, kl, np.arange(4, dtype=np.uint32)).reshape(2, 2)
        sk1, sk2 = tuple(ks[0]), tuple(ks[1])

        def bits(k):
            return _threefry2x32_flat(k[0], k[1], np.arange(n, dtype=np.uint32))

    higher, lower = bits(sk1), bits(sk2)
    span = np.uint32(255)
    with np.errstate(over="ignore"):
        mult = np.uint32(np.uint32(2 ** 16) % span)
        mult = np.uint32((mult * mult) % span)
        off = ((higher % span) * mult + (lower % span)).astype(np.uint32)
        off = (off % span).astype(np.uint32)
    return off.astype(np.int32).reshape(shape)


@functools.cache
def _neg_indices_const():
    neg = _np_randint_0_255((N_B, L, NUM_NEG))
    pos = np.arange(L, dtype=np.int32)[None, :, None]
    neg = (neg + (neg >= pos)).astype(np.int32)
    negp = np.zeros((ROWS, JPAD), np.int32)
    negp[:, 0] = L
    negp[:, 1:NUM_NEG + 1] = neg.reshape(ROWS, NUM_NEG)
    return negp.reshape(-1)


def kernel(x, W_conv, b_conv, mask_token, start_token, W_qkv, W_o):
    xr = x.reshape(N_B, C_IN * L, KERNEL)
    wc = W_conv.reshape(C_FEAT, C_IN * KERNEL)
    mcol = jnp.asarray(_MASK_NP[0], jnp.float32)[:, None]

    zT, c_out, M = _tc(xr, wc, b_conv[None, :], mask_token[None, :],
                       start_token[None, :], mcol, W_qkv, W_o)

    gat = _sc_gather_kernel()(M.reshape(-1), _neg_indices_const())
    logits = gat.reshape(ROWS, JPAD)[:, :NUM_NEG + 1]

    return logits, zT, jnp.asarray(_MASK_NP), c_out

# --- scband reference (transcript-rebuilt; emitter-appended) ---
"""Pipeline reference for scband-contrastive-ssl-81475529605498 (READ-ONLY COPY).

The authoritative reference and input builder live on the scoring server;
editing this copy changes nothing except your own understanding.
"""

import jax, jax.numpy as jnp
import numpy as np

N_B, C_IN, T_LEN = 8, 20, 16384
C_FEAT = 256
KERNEL = 64
STRIDE = 64
L_TOK = T_LEN // STRIDE
MASK_RATE = 0.1
MASK_SPAN = 6
TEMP = 0.5
NUM_NEG = 100
N_HEADS = 8
EPS = 1e-8


def _make_span_from_seeds(seeds, span, total):
    inds = set()
    for s in seeds:
        for i in range(int(s), int(s) + span):
            if i < total:
                inds.add(i)
    return np.array(sorted(inds), dtype=np.int64)


def _make_eval_mask(n, l):
    mask = np.zeros((n, l), dtype=bool)
    half = max(1, int(l * MASK_RATE * 0.5))
    seeds = (l // half) * np.arange(half, dtype=np.int64)
    idx = _make_span_from_seeds(seeds, MASK_SPAN, l)
    mask[:, idx] = True
    return jnp.asarray(mask)


def _convencoder(x, W_conv, b_conv):
    z = jax.lax.conv_general_dilated(x, W_conv, window_strides=(STRIDE,), padding='VALID', dimension_numbers=('NCH', 'OIH', 'NCH'))
    z = z + b_conv[None, :, None]
    return jax.nn.gelu(z)


def _transformer(z, mask, mask_token, start_token, W_qkv, W_o):
    n, c, l = z.shape
    zt = jnp.transpose(z, (0, 2, 1))
    zt = jnp.where(mask[..., None], mask_token[None, None, :], zt)
    st = jnp.broadcast_to(start_token[None, None, :], (n, 1, c))
    tok = jnp.concatenate([st, zt], axis=1)
    qkv = tok @ W_qkv
    q, k, v = jnp.split(qkv, 3, axis=-1)
    dh = c // N_HEADS
    def heads(t):
        return jnp.transpose(t.reshape(n, l + 1, N_HEADS, dh), (0, 2, 1, 3))
    q, k, v = heads(q), heads(k), heads(v)
    att = jax.nn.softmax(jnp.einsum('nhqd,nhkd->nhqk', q, k) / np.sqrt(dh), axis=-1)
    o = jnp.einsum('nhqk,nhkd->nhqd', att, v)
    o = jnp.transpose(o, (0, 2, 1, 3)).reshape(n, l + 1, c)
    o = o @ W_o
    return jnp.transpose(o, (0, 2, 1))


def _sample_negatives(z):
    n, c, l = z.shape
    key = jax.random.key(1)
    neg = jax.random.randint(key, (n, l, NUM_NEG), 0, l - 1)
    pos = jnp.arange(l)[None, :, None]
    neg = neg + (neg >= pos).astype(neg.dtype)
    flat = neg + (jnp.arange(n) * l)[:, None, None]
    z_k = jnp.transpose(z, (0, 2, 1)).reshape(-1, c)
    z_k = jnp.take(z_k, flat.reshape(-1), axis=0).reshape(n, l, NUM_NEG, c)
    return z_k, neg


def _compute_logits(z, c_out, negatives):
    cq = jnp.transpose(c_out[..., 1:], (0, 2, 1))[:, :, None, :]
    zp = jnp.transpose(z, (0, 2, 1))[:, :, None, :]
    neg_in_target = jnp.all(cq == negatives, axis=-1)
    targets = jnp.concatenate([zp, negatives], axis=-2)
    num = jnp.sum(cq * targets, axis=-1)
    den = jnp.maximum(jnp.linalg.norm(cq, axis=-1) * jnp.linalg.norm(targets, axis=-1), EPS)
    logits = num / den / TEMP
    full_mask = jnp.concatenate([jnp.zeros(neg_in_target.shape[:2] + (1,), dtype=bool), neg_in_target], axis=-1)
    logits = jnp.where(full_mask, -jnp.inf, logits)
    return logits.reshape(-1, logits.shape[-1])


def setup_inputs(seed: int = 0):
    key = jax.random.key(seed)
    ks = jax.random.split(key, 7)
    x = jax.random.normal(ks[0], (N_B, C_IN, T_LEN), dtype=jnp.float32)
    W_conv = jax.random.normal(ks[1], (C_FEAT, C_IN, KERNEL), dtype=jnp.float32) * 0.02
    b_conv = jnp.zeros((C_FEAT,), dtype=jnp.float32)
    mask_token = jax.random.normal(ks[2], (C_FEAT,), dtype=jnp.float32) * 0.02
    start_token = jax.random.normal(ks[3], (C_FEAT,), dtype=jnp.float32) * 0.02
    W_qkv = jax.random.normal(ks[4], (C_FEAT, 3 * C_FEAT), dtype=jnp.float32) * 0.02
    W_o = jax.random.normal(ks[5], (C_FEAT, C_FEAT), dtype=jnp.float32) * 0.02
    return {"x": x, "W_conv": W_conv, "b_conv": b_conv, "mask_token": mask_token, "start_token": start_token, "W_qkv": W_qkv, "W_o": W_o}


def reference(x, W_conv, b_conv, mask_token, start_token, W_qkv, W_o):
    z = _convencoder(x, W_conv, b_conv)
    unmasked_z = z
    n, c, l = z.shape
    mask = _make_eval_mask(n, l)
    c_out = _transformer(z, mask, mask_token, start_token, W_qkv, W_o)
    negatives, _ = _sample_negatives(unmasked_z)
    logits = _compute_logits(unmasked_z, c_out, negatives)
    return logits, unmasked_z, mask, c_out

if __name__ == "__main__":
    import jax
    _d = setup_inputs()
    print(jax.jit(kernel)(*tuple(_d.values())))

</pallas_src>

<mosaic_0001>
#map = affine_map<(d0, d1) -> (0)>
module attributes {stable_mosaic.version = 14 : i64} {
  func.func @sc_gather(%arg0: i32, %arg1: i32, %arg2: memref<540672xf32, #tpu.memory_space<hbm>>, %arg3: memref<229376xi32, #tpu.memory_space<hbm>>, %arg4: memref<229376xf32, #tpu.memory_space<hbm>>, %arg5: memref<16896xf32, #tpu.memory_space<vmem>>, %arg6: memref<7168xi32, #tpu.memory_space<vmem>>, %arg7: memref<7168xf32, #tpu.memory_space<vmem>>) attributes {dimension_semantics = [#tpu.dimension_semantics<core_parallel>, #tpu.dimension_semantics<subcore_parallel>], iteration_bounds = array<i64: 2, 16>, scalar_prefetch = 0 : i64, scratch_operands = 3 : i64, tpu.core_type = #tpu.core_type<sc_vector_subcore>, window_params = [{transform_indices = #map}, {transform_indices = #map}, {transform_indices = #map}]} {
    %mul3A = arith.constant 2 : i32
    %mul3A_0 = arith.muli %arg1, %mul3A : i32
    %add3A = arith.addi %mul3A_0, %arg0 : i32
    %mul3A_1 = arith.constant 16896 : i32
    %mul3A_2 = arith.muli %add3A, %mul3A_1 : i32
    "tpu.region"() ({
      %run_scoped3A = tpu.sem_alloc : memref<!tpu.dma_semaphore, #tpu.memory_space<semaphore_mem>>
      %dma_start3A = tpu.memref_slice %arg2[%mul3A_2] : memref<540672xf32, #tpu.memory_space<hbm>> -> memref<16896xf32, #tpu.memory_space<hbm>>
      %dma_start3A_12 = tpu.memref_slice %arg2[%mul3A_2] : memref<540672xf32, #tpu.memory_space<hbm>> -> memref<16896xf32, #tpu.memory_space<hbm>>
      tpu.enqueue_dma source(%dma_start3A_12 : memref<16896xf32, #tpu.memory_space<hbm>>) target(%arg5 : memref<16896xf32, #tpu.memory_space<vmem>>) target_semaphore(%run_scoped3A : memref<!tpu.dma_semaphore, #tpu.memory_space<semaphore_mem>>)
      %dma_wait3A = tpu.memref_slice %arg2[%mul3A_2] : memref<540672xf32, #tpu.memory_space<hbm>> -> memref<16896xf32, #tpu.memory_space<hbm>>
      %dma_wait3A_13 = tpu.memref_slice %arg2[%mul3A_2] : memref<540672xf32, #tpu.memory_space<hbm>> -> memref<16896xf32, #tpu.memory_space<hbm>>
      tpu.wait_dma2 semaphore(%run_scoped3A : memref<!tpu.dma_semaphore, #tpu.memory_space<semaphore_mem>>) src(%dma_wait3A_13 : memref<16896xf32, #tpu.memory_space<hbm>>) dst(%arg5 : memref<16896xf32, #tpu.memory_space<vmem>>)
      tpu.yield
    }) : () -> ()
    %mul3A_3 = arith.constant 7168 : i32
    %mul3A_4 = arith.muli %add3A, %mul3A_3 : i32
    "tpu.region"() ({
      %run_scoped3A = tpu.sem_alloc : memref<!tpu.dma_semaphore, #tpu.memory_space<semaphore_mem>>
      %dma_start3A = tpu.memref_slice %arg3[%mul3A_4] : memref<229376xi32, #tpu.memory_space<hbm>> -> memref<7168xi32, #tpu.memory_space<hbm>>
      %dma_start3A_12 = tpu.memref_slice %arg3[%mul3A_4] : memref<229376xi32, #tpu.memory_space<hbm>> -> memref<7168xi32, #tpu.memory_space<hbm>>
      tpu.enqueue_dma source(%dma_start3A_12 : memref<7168xi32, #tpu.memory_space<hbm>>) target(%arg6 : memref<7168xi32, #tpu.memory_space<vmem>>) target_semaphore(%run_scoped3A : memref<!tpu.dma_semaphore, #tpu.memory_space<semaphore_mem>>)
      %dma_wait3A = tpu.memref_slice %arg3[%mul3A_4] : memref<229376xi32, #tpu.memory_space<hbm>> -> memref<7168xi32, #tpu.memory_space<hbm>>
      %dma_wait3A_13 = tpu.memref_slice %arg3[%mul3A_4] : memref<229376xi32, #tpu.memory_space<hbm>> -> memref<7168xi32, #tpu.memory_space<hbm>>
      tpu.wait_dma2 semaphore(%run_scoped3A : memref<!tpu.dma_semaphore, #tpu.memory_space<semaphore_mem>>) src(%dma_wait3A_13 : memref<7168xi32, #tpu.memory_space<hbm>>) dst(%arg6 : memref<7168xi32, #tpu.memory_space<vmem>>)
      tpu.yield
    }) : () -> ()
    %scan3A = arith.constant 0 : i32
    %scan3A_5 = arith.constant 0 : i32
    %scan3A_6 = arith.constant 64 : i32
    %scan3A_7 = arith.addi %scan3A_5, %scan3A_6 : i32
    %scan3A_8 = arith.constant 1 : i32
    scf.for %scan3A_12 = %scan3A_5 to %scan3A_7 step %scan3A_8  : i32 {
      %mul3A_13 = arith.constant 112 : i32
      %mul3A_14 = arith.muli %scan3A_12, %mul3A_13 : i32
      %mul3A_15 = arith.constant 264 : i32
      %mul3A_16 = arith.muli %scan3A_12, %mul3A_15 : i32
      %add3A_17 = arith.constant 0 : i32
      %add3A_18 = arith.addi %mul3A_14, %add3A_17 : i32
      %get3A = arith.index_cast %add3A_18 : i32 to index
      %get3A_19 = tpu.vector_load %arg6[%get3A] {strides = array<i32>} : memref<7168xi32, #tpu.memory_space<vmem>>, vector<16xi32>,
      %add3A_20 = vector.broadcast %mul3A_16 : i32 to vector<16xi32>
      %add3A_21 = arith.addi %get3A_19, %add3A_20 : vector<16xi32>
      %gather3A = tpu.vector_load_idx %arg5[%add3A_21] : memref<16896xf32, #tpu.memory_space<vmem>>[vector<16xi32>], vector<16xf32>,
      %add3A_22 = arith.constant 0 : i32
      %add3A_23 = arith.addi %mul3A_14, %add3A_22 : i32
      %swap3A = arith.index_cast %add3A_23 : i32 to index
      %swap3A_24 = tpu.vector_load %arg7[%swap3A] {strides = array<i32>} : memref<7168xf32, #tpu.memory_space<vmem>>, vector<16xf32>,
      tpu.vector_store %arg7[%swap3A], %gather3A {strides = array<i32>} : memref<7168xf32, #tpu.memory_space<vmem>>, vector<16xf32>,
      %add3A_25 = arith.constant 16 : i32
      %add3A_26 = arith.addi %mul3A_14, %add3A_25 : i32
      %get3A_27 = arith.index_cast %add3A_26 : i32 to index
      %get3A_28 = tpu.vector_load %arg6[%get3A_27] {strides = array<i32>} : memref<7168xi32, #tpu.memory_space<vmem>>, vector<16xi32>,
      %add3A_29 = vector.broadcast %mul3A_16 : i32 to vector<16xi32>
      %add3A_30 = arith.addi %get3A_28, %add3A_29 : vector<16xi32>
      %gather3A_31 = tpu.vector_load_idx %arg5[%add3A_30] : memref<16896xf32, #tpu.memory_space<vmem>>[vector<16xi32>], vector<16xf32>,
      %add3A_32 = arith.constant 16 : i32
      %add3A_33 = arith.addi %mul3A_14, %add3A_32 : i32
      %swap3A_34 = arith.index_cast %add3A_33 : i32 to index
      %swap3A_35 = tpu.vector_load %arg7[%swap3A_34] {strides = array<i32>} : memref<7168xf32, #tpu.memory_space<vmem>>, vector<16xf32>,
      tpu.vector_store %arg7[%swap3A_34], %gather3A_31 {strides = array<i32>} : memref<7168xf32, #tpu.memory_space<vmem>>, vector<16xf32>,
      %add3A_36 = arith.constant 32 : i32
      %add3A_37 = arith.addi %mul3A_14, %add3A_36 : i32
      %get3A_38 = arith.index_cast %add3A_37 : i32 to index
      %get3A_39 = tpu.vector_load %arg6[%get3A_38] {strides = array<i32>} : memref<7168xi32, #tpu.memory_space<vmem>>, vector<16xi32>,
      %add3A_40 = vector.broadcast %mul3A_16 : i32 to vector<16xi32>
      %add3A_41 = arith.addi %get3A_39, %add3A_40 : vector<16xi32>
      %gather3A_42 = tpu.vector_load_idx %arg5[%add3A_41] : memref<16896xf32, #tpu.memory_space<vmem>>[vector<16xi32>], vector<16xf32>,
      %add3A_43 = arith.constant 32 : i32
      %add3A_44 = arith.addi %mul3A_14, %add3A_43 : i32
      %swap3A_45 = arith.index_cast %add3A_44 : i32 to index
      %swap3A_46 = tpu.vector_load %arg7[%swap3A_45] {strides = array<i32>} : memref<7168xf32, #tpu.memory_space<vmem>>, vector<16xf32>,
      tpu.vector_store %arg7[%swap3A_45], %gather3A_42 {strides = array<i32>} : memref<7168xf32, #tpu.memory_space<vmem>>, vector<16xf32>,
      %add3A_47 = arith.constant 48 : i32
      %add3A_48 = arith.addi %mul3A_14, %add3A_47 : i32
      %get3A_49 = arith.index_cast %add3A_48 : i32 to index
      %get3A_50 = tpu.vector_load %arg6[%get3A_49] {strides = array<i32>} : memref<7168xi32, #tpu.memory_space<vmem>>, vector<16xi32>,
      %add3A_51 = vector.broadcast %mul3A_16 : i32 to vector<16xi32>
      %add3A_52 = arith.addi %get3A_50, %add3A_51 : vector<16xi32>
      %gather3A_53 = tpu.vector_load_idx %arg5[%add3A_52] : memref<16896xf32, #tpu.memory_space<vmem>>[vector<16xi32>], vector<16xf32>,
      %add3A_54 = arith.constant 48 : i32
      %add3A_55 = arith.addi %mul3A_14, %add3A_54 : i32
      %swap3A_56 = arith.index_cast %add3A_55 : i32 to index
      %swap3A_57 = tpu.vector_load %arg7[%swap3A_56] {strides = array<i32>} : memref<7168xf32, #tpu.memory_space<vmem>>, vector<16xf32>,
      tpu.vector_store %arg7[%swap3A_56], %gather3A_53 {strides = array<i32>} : memref<7168xf32, #tpu.memory_space<vmem>>, vector<16xf32>,
      %add3A_58 = arith.constant 64 : i32
      %add3A_59 = arith.addi %mul3A_14, %add3A_58 : i32
      %get3A_60 = arith.index_cast %add3A_59 : i32 to index
      %get3A_61 = tpu.vector_load %arg6[%get3A_60] {strides = array<i32>} : memref<7168xi32, #tpu.memory_space<vmem>>, vector<16xi32>,
      %add3A_62 = vector.broadcast %mul3A_16 : i32 to vector<16xi32>
      %add3A_63 = arith.addi %get3A_61, %add3A_62 : vector<16xi32>
      %gather3A_64 = tpu.vector_load_idx %arg5[%add3A_63] : memref<16896xf32, #tpu.memory_space<vmem>>[vector<16xi32>], vector<16xf32>,
      %add3A_65 = arith.constant 64 : i32
      %add3A_66 = arith.addi %mul3A_14, %add3A_65 : i32
      %swap3A_67 = arith.index_cast %add3A_66 : i32 to index
      %swap3A_68 = tpu.vector_load %arg7[%swap3A_67] {strides = array<i32>} : memref<7168xf32, #tpu.memory_space<vmem>>, vector<16xf32>,
      tpu.vector_store %arg7[%swap3A_67], %gather3A_64 {strides = array<i32>} : memref<7168xf32, #tpu.memory_space<vmem>>, vector<16xf32>,
      %add3A_69 = arith.constant 80 : i32
      %add3A_70 = arith.addi %mul3A_14, %add3A_69 : i32
      %get3A_71 = arith.index_cast %add3A_70 : i32 to index
      %get3A_72 = tpu.vector_load %arg6[%get3A_71] {strides = array<i32>} : memref<7168xi32, #tpu.memory_space<vmem>>, vector<16xi32>,
      %add3A_73 = vector.broadcast %mul3A_16 : i32 to vector<16xi32>
      %add3A_74 = arith.addi %get3A_72, %add3A_73 : vector<16xi32>
      %gather3A_75 = tpu.vector_load_idx %arg5[%add3A_74] : memref<16896xf32, #tpu.memory_space<vmem>>[vector<16xi32>], vector<16xf32>,
      %add3A_76 = arith.constant 80 : i32
      %add3A_77 = arith.addi %mul3A_14, %add3A_76 : i32
      %swap3A_78 = arith.index_cast %add3A_77 : i32 to index
      %swap3A_79 = tpu.vector_load %arg7[%swap3A_78] {strides = array<i32>} : memref<7168xf32, #tpu.memory_space<vmem>>, vector<16xf32>,
      tpu.vector_store %arg7[%swap3A_78], %gather3A_75 {strides = array<i32>} : memref<7168xf32, #tpu.memory_space<vmem>>, vector<16xf32>,
      %add3A_80 = arith.constant 96 : i32
      %add3A_81 = arith.addi %mul3A_14, %add3A_80 : i32
      %get3A_82 = arith.index_cast %add3A_81 : i32 to index
      %get3A_83 = tpu.vector_load %arg6[%get3A_82] {strides = array<i32>} : memref<7168xi32, #tpu.memory_space<vmem>>, vector<16xi32>,
      %add3A_84 = vector.broadcast %mul3A_16 : i32 to vector<16xi32>
      %add3A_85 = arith.addi %get3A_83, %add3A_84 : vector<16xi32>
      %gather3A_86 = tpu.vector_load_idx %arg5[%add3A_85] : memref<16896xf32, #tpu.memory_space<vmem>>[vector<16xi32>], vector<16xf32>,
      %add3A_87 = arith.constant 96 : i32
      %add3A_88 = arith.addi %mul3A_14, %add3A_87 : i32
      %swap3A_89 = arith.index_cast %add3A_88 : i32 to index
      %swap3A_90 = tpu.vector_load %arg7[%swap3A_89] {strides = array<i32>} : memref<7168xf32, #tpu.memory_space<vmem>>, vector<16xf32>,
      tpu.vector_store %arg7[%swap3A_89], %gather3A_86 {strides = array<i32>} : memref<7168xf32, #tpu.memory_space<vmem>>, vector<16xf32>,
    }
    %scan3A_9 = arith.constant 64 : i32
    %mul3A_10 = arith.constant 7168 : i32
    %mul3A_11 = arith.muli %add3A, %mul3A_10 : i32
    "tpu.region"() ({
      %run_scoped3A = tpu.sem_alloc : memref<!tpu.dma_semaphore, #tpu.memory_space<semaphore_mem>>
      %dma_start3A = tpu.memref_slice %arg4[%mul3A_11] : memref<229376xf32, #tpu.memory_space<hbm>> -> memref<7168xf32, #tpu.memory_space<hbm>>
      %dma_start3A_12 = tpu.memref_slice %arg4[%mul3A_11] : memref<229376xf32, #tpu.memory_space<hbm>> -> memref<7168xf32, #tpu.memory_space<hbm>>
      tpu.enqueue_dma source(%arg7 : memref<7168xf32, #tpu.memory_space<vmem>>) target(%dma_start3A_12 : memref<7168xf32, #tpu.memory_space<hbm>>) target_semaphore(%run_scoped3A : memref<!tpu.dma_semaphore, #tpu.memory_space<semaphore_mem>>)
      %dma_wait3A = tpu.memref_slice %arg4[%mul3A_11] : memref<229376xf32, #tpu.memory_space<hbm>> -> memref<7168xf32, #tpu.memory_space<hbm>>
      %dma_wait3A_13 = tpu.memref_slice %arg4[%mul3A_11] : memref<229376xf32, #tpu.memory_space<hbm>> -> memref<7168xf32, #tpu.memory_space<hbm>>
      tpu.wait_dma2 semaphore(%run_scoped3A : memref<!tpu.dma_semaphore, #tpu.memory_space<semaphore_mem>>) src(%arg7 : memref<7168xf32, #tpu.memory_space<vmem>>) dst(%dma_wait3A_13 : memref<7168xf32, #tpu.memory_space<hbm>>)
      tpu.yield
    }) : () -> ()
    return
  }
}

module attributes {stable_mosaic.version = 14 : i64} {
  func.func @_tc_body(%arg0: i32, %arg1: memref<1x5120x64xf32, #tpu.memory_space<vmem>>, %arg2: memref<256x1280xf32, #tpu.memory_space<vmem>>, %arg3: memref<1x256xf32, #tpu.memory_space<vmem>>, %arg4: memref<1x256xf32, #tpu.memory_space<vmem>>, %arg5: memref<1x256xf32, #tpu.memory_space<vmem>>, %arg6: memref<256x1xf32, #tpu.memory_space<vmem>>, %arg7: memref<256x768xf32, #tpu.memory_space<vmem>>, %arg8: memref<256x256xf32, #tpu.memory_space<vmem>>, %arg9: memref<1x256x256xf32, #tpu.memory_space<vmem>>, %arg10: memref<1x256x257xf32, #tpu.memory_space<vmem>>, %arg11: memref<1x256x264xf32, #tpu.memory_space<vmem>>) attributes {dimension_semantics = [#tpu.dimension_semantics<arbitrary>], iteration_bounds = array<i64: 8>, scalar_prefetch = 0 : i64, scratch_operands = 0 : i64, tpu.core_type = #tpu.core_type<tc>, window_params = [{transform_indices = @transform_0, window_bounds = array<i64: 1, 5120, 64>}, {pipeline_mode = #tpu.pipeline_mode<synchronous>, transform_indices = @transform_1, window_bounds = array<i64: 256, 1280>}, {pipeline_mode = #tpu.pipeline_mode<synchronous>, transform_indices = @transform_2, window_bounds = array<i64: 1, 256>}, {pipeline_mode = #tpu.pipeline_mode<synchronous>, transform_indices = @transform_3, window_bounds = array<i64: 1, 256>}, {pipeline_mode = #tpu.pipeline_mode<synchronous>, transform_indices = @transform_4, window_bounds = array<i64: 1, 256>}, {pipeline_mode = #tpu.pipeline_mode<synchronous>, transform_indices = @transform_5, window_bounds = array<i64: 256, 1>}, {pipeline_mode = #tpu.pipeline_mode<synchronous>, transform_indices = @transform_6, window_bounds = array<i64: 256, 768>}, {pipeline_mode = #tpu.pipeline_mode<synchronous>, transform_indices = @transform_7, window_bounds = array<i64: 256, 256>}, {transform_indices = @transform_8, window_bounds = array<i64: 1, 256, 256>}, {transform_indices = @transform_9, window_bounds = array<i64: 1, 256, 257>}, {transform_indices = @transform_10, window_bounds = array<i64: 1, 256, 264>}]} {
    %get3A = arith.constant 0 : index
    %get3A_0 = arith.constant 0 : index
    %get3A_1 = arith.constant 0 : index
    %get3A_2 = vector.load %arg1[%get3A, %get3A_0, %get3A_1] : memref<1x5120x64xf32, #tpu.memory_space<vmem>>, vector<1x5120x64xf32>
    %get3A_3 = vector.shape_cast %get3A_2 : vector<1x5120x64xf32> to vector<5120x64xf32>
    %get3A_4 = arith.constant 0 : index
    %get3A_5 = arith.constant 0 : index
    %get3A_6 = vector.load %arg2[%get3A_4, %get3A_5] : memref<256x1280xf32, #tpu.memory_space<vmem>>, vector<256x1280xf32>
    %slice3A = vector.extract_strided_slice %get3A_3 {offsets = [0, 0], sizes = [256, 64], strides = [1, 1]} : vector<5120x64xf32> to vector<256x64xf32>
    %slice3A_7 = vector.extract_strided_slice %get3A_3 {offsets = [256, 0], sizes = [256, 64], strides = [1, 1]} : vector<5120x64xf32> to vector<256x64xf32>
    %slice3A_8 = vector.extract_strided_slice %get3A_3 {offsets = [512, 0], sizes = [256, 64], strides = [1, 1]} : vector<5120x64xf32> to vector<256x64xf32>
    %slice3A_9 = vector.extract_strided_slice %get3A_3 {offsets = [768, 0], sizes = [256, 64], strides = [1, 1]} : vector<5120x64xf32> to vector<256x64xf32>
    %concatenate3A = tpu.concatenate %slice3A, %slice3A_7, %slice3A_8, %slice3A_9 in 1 : vector<256x64xf32>, vector<256x64xf32>, vector<256x64xf32>, vector<256x64xf32> -> vector<256x256xf32>
    %slice3A_10 = vector.extract_strided_slice %get3A_6 {offsets = [0, 0], sizes = [256, 256], strides = [1, 1]} : vector<256x1280xf32> to vector<256x256xf32>
    %dot_general3A = arith.constant dense<0.000000e+00> : vector<256x256xf32>
    %dot_general3A_11 = tpu.matmul %concatenate3A, %slice3A_10, %dot_general3A {dimension_numbers = #tpu.dot_dimension_numbers<[1], [1], [0], [0], [0, 0, 1, 0], [], []>, transpose_lhs_hint = false} : vector<256x256xf32>, vector<256x256xf32>, vector<256x256xf32> -> vector<256x256xf32>
    %slice3A_12 = vector.extract_strided_slice %get3A_3 {offsets = [1024, 0], sizes = [256, 64], strides = [1, 1]} : vector<5120x64xf32> to vector<256x64xf32>
    %slice3A_13 = vector.extract_strided_slice %get3A_3 {offsets = [1280, 0], sizes = [256, 64], strides = [1, 1]} : vector<5120x64xf32> to vector<256x64xf32>
    %slice3A_14 = vector.extract_strided_slice %get3A_3 {offsets = [1536, 0], sizes = [256, 64], strides = [1, 1]} : vector<5120x64xf32> to vector<256x64xf32>
    %slice3A_15 = vector.extract_strided_slice %get3A_3 {offsets = [1792, 0], sizes = [256, 64], strides = [1, 1]} : vector<5120x64xf32> to vector<256x64xf32>
    %concatenate3A_16 = tpu.concatenate %slice3A_12, %slice3A_13, %slice3A_14, %slice3A_15 in 1 : vector<256x64xf32>, vector<256x64xf32>, vector<256x64xf32>, vector<256x64xf32> -> vector<256x256xf32>
    %slice3A_17 = vector.extract_strided_slice %get3A_6 {offsets = [0, 256], sizes = [256, 256], strides = [1, 1]} : vector<256x1280xf32> to vector<256x256xf32>
    %dot_general3A_18 = arith.constant dense<0.000000e+00> : vector<256x256xf32>
    %dot_general3A_19 = tpu.matmul %concatenate3A_16, %slice3A_17, %dot_general3A_18 {dimension_numbers = #tpu.dot_dimension_numbers<[1], [1], [0], [0], [0, 0, 1, 0], [], []>, transpose_lhs_hint = false} : vector<256x256xf32>, vector<256x256xf32>, vector<256x256xf32> -> vector<256x256xf32>
    %add3A = arith.addf %dot_general3A_11, %dot_general3A_19 : vector<256x256xf32>
    %slice3A_20 = vector.extract_strided_slice %get3A_3 {offsets = [2048, 0], sizes = [256, 64], strides = [1, 1]} : vector<5120x64xf32> to vector<256x64xf32>
    %slice3A_21 = vector.extract_strided_slice %get3A_3 {offsets = [2304, 0], sizes = [256, 64], strides = [1, 1]} : vector<5120x64xf32> to vector<256x64xf32>
    %slice3A_22 = vector.extract_strided_slice %get3A_3 {offsets = [2560, 0], sizes = [256, 64], strides = [1, 1]} : vector<5120x64xf32> to vector<256x64xf32>
    %slice3A_23 = vector.extract_strided_slice %get3A_3 {offsets = [2816, 0], sizes = [256, 64], strides = [1, 1]} : vector<5120x64xf32> to vector<256x64xf32>
    %concatenate3A_24 = tpu.concatenate %slice3A_20, %slice3A_21, %slice3A_22, %slice3A_23 in 1 : vector<256x64xf32>, vector<256x64xf32>, vector<256x64xf32>, vector<256x64xf32> -> vector<256x256xf32>
    %slice3A_25 = vector.extract_strided_slice %get3A_6 {offsets = [0, 512], sizes = [256, 256], strides = [1, 1]} : vector<256x1280xf32> to vector<256x256xf32>
    %dot_general3A_26 = arith.constant dense<0.000000e+00> : vector<256x256xf32>
    %dot_general3A_27 = tpu.matmul %concatenate3A_24, %slice3A_25, %dot_general3A_26 {dimension_numbers = #tpu.dot_dimension_numbers<[1], [1], [0], [0], [0, 0, 1, 0], [], []>, transpose_lhs_hint = false} : vector<256x256xf32>, vector<256x256xf32>, vector<256x256xf32> -> vector<256x256xf32>
    %add3A_28 = arith.addf %add3A, %dot_general3A_27 : vector<256x256xf32>
    %slice3A_29 = vector.extract_strided_slice %get3A_3 {offsets = [3072, 0], sizes = [256, 64], strides = [1, 1]} : vector<5120x64xf32> to vector<256x64xf32>
    %slice3A_30 = vector.extract_strided_slice %get3A_3 {offsets = [3328, 0], sizes = [256, 64], strides = [1, 1]} : vector<5120x64xf32> to vector<256x64xf32>
    %slice3A_31 = vector.extract_strided_slice %get3A_3 {offsets = [3584, 0], sizes = [256, 64], strides = [1, 1]} : vector<5120x64xf32> to vector<256x64xf32>
    %slice3A_32 = vector.extract_strided_slice %get3A_3 {offsets = [3840, 0], sizes = [256, 64], strides = [1, 1]} : vector<5120x64xf32> to vector<256x64xf32>
    %concatenate3A_33 = tpu.concatenate %slice3A_29, %slice3A_30, %slice3A_31, %slice3A_32 in 1 : vector<256x64xf32>, vector<256x64xf32>, vector<256x64xf32>, vector<256x64xf32> -> vector<256x256xf32>
    %slice3A_34 = vector.extract_strided_slice %get3A_6 {offsets = [0, 768], sizes = [256, 256], strides = [1, 1]} : vector<256x1280xf32> to vector<256x256xf32>
    %dot_general3A_35 = arith.constant dense<0.000000e+00> : vector<256x256xf32>
    %dot_general3A_36 = tpu.matmul %concatenate3A_33, %slice3A_34, %dot_general3A_35 {dimension_numbers = #tpu.dot_dimension_numbers<[1], [1], [0], [0], [0, 0, 1, 0], [], []>, transpose_lhs_hint = false} : vector<256x256xf32>, vector<256x256xf32>, vector<256x256xf32> -> vector<256x256xf32>
    %add3A_37 = arith.addf %add3A_28, %dot_general3A_36 : vector<256x256xf32>
    %slice3A_38 = vector.extract_strided_slice %get3A_3 {offsets = [4096, 0], sizes = [256, 64], strides = [1, 1]} : vector<5120x64xf32> to vector<256x64xf32>
    %slice3A_39 = vector.extract_strided_slice %get3A_3 {offsets = [4352, 0], sizes = [256, 64], strides = [1, 1]} : vector<5120x64xf32> to vector<256x64xf32>
    %slice3A_40 = vector.extract_strided_slice %get3A_3 {offsets = [4608, 0], sizes = [256, 64], strides = [1, 1]} : vector<5120x64xf32> to vector<256x64xf32>
    %slice3A_41 = vector.extract_strided_slice %get3A_3 {offsets = [4864, 0], sizes = [256, 64], strides = [1, 1]} : vector<5120x64xf32> to vector<256x64xf32>
    %concatenate3A_42 = tpu.concatenate %slice3A_38, %slice3A_39, %slice3A_40, %slice3A_41 in 1 : vector<256x64xf32>, vector<256x64xf32>, vector<256x64xf32>, vector<256x64xf32> -> vector<256x256xf32>
    %slice3A_43 = vector.extract_strided_slice %get3A_6 {offsets = [0, 1024], sizes = [256, 256], strides = [1, 1]} : vector<256x1280xf32> to vector<256x256xf32>
    %dot_general3A_44 = arith.constant dense<0.000000e+00> : vector<256x256xf32>
    %dot_general3A_45 = tpu.matmul %concatenate3A_42, %slice3A_43, %dot_general3A_44 {dimension_numbers = #tpu.dot_dimension_numbers<[1], [1], [0], [0], [0, 0, 1, 0], [], []>, transpose_lhs_hint = false} : vector<256x256xf32>, vector<256x256xf32>, vector<256x256xf32> -> vector<256x256xf32>
    %add3A_46 = arith.addf %add3A_37, %dot_general3A_45 : vector<256x256xf32>
    %get3A_47 = arith.constant 0 : index
    %get3A_48 = arith.constant 0 : index
    %get3A_49 = vector.load %arg3[%get3A_47, %get3A_48] : memref<1x256xf32, #tpu.memory_space<vmem>>, vector<1x256xf32>
    %add3A_50 = vector.broadcast %get3A_49 : vector<1x256xf32> to vector<256x256xf32>
    %add3A_51 = arith.addf %add3A_46, %add3A_50 : vector<256x256xf32>
    %integer_pow3A = arith.mulf %add3A_51, %add3A_51 : vector<256x256xf32>
    %integer_pow3A_52 = arith.mulf %add3A_51, %integer_pow3A : vector<256x256xf32>
    %mul3A = arith.constant 4.471500e-02 : f32
    %mul3A_53 = vector.broadcast %mul3A : f32 to vector<256x256xf32>
    %mul3A_54 = arith.mulf %mul3A_53, %integer_pow3A_52 : vector<256x256xf32>
    %add3A_55 = arith.addf %add3A_51, %mul3A_54 : vector<256x256xf32>
    %mul3A_56 = arith.constant 0.797884583 : f32
    %mul3A_57 = vector.broadcast %mul3A_56 : f32 to vector<256x256xf32>
    %mul3A_58 = arith.mulf %mul3A_57, %add3A_55 : vector<256x256xf32>
    %tanh3A = math.tanh %mul3A_58 : vector<256x256xf32>
    %add3A_59 = arith.constant 1.000000e+00 : f32
    %add3A_60 = vector.broadcast %add3A_59 : f32 to vector<256x256xf32>
    %add3A_61 = arith.addf %add3A_60, %tanh3A : vector<256x256xf32>
    %mul3A_62 = arith.constant 5.000000e-01 : f32
    %mul3A_63 = vector.broadcast %mul3A_62 : f32 to vector<256x256xf32>
    %mul3A_64 = arith.mulf %mul3A_63, %add3A_61 : vector<256x256xf32>
    %mul3A_65 = arith.mulf %add3A_51, %mul3A_64 : vector<256x256xf32>
    %transpose3A = tpu.transpose %mul3A_65, [1, 0] : vector<256x256xf32> -> vector<256x256xf32>
    %swap3A = arith.constant 0 : index
    %swap3A_66 = arith.constant 0 : index
    %swap3A_67 = arith.constant 0 : index
    %swap3A_68 = vector.load %arg9[%swap3A, %swap3A_66, %swap3A_67] : memref<1x256x256xf32, #tpu.memory_space<vmem>>, vector<1x256x256xf32>
    %swap3A_69 = vector.shape_cast %swap3A_68 : vector<1x256x256xf32> to vector<256x256xf32>
    %swap3A_70 = vector.shape_cast %transpose3A : vector<256x256xf32> to vector<1x256x256xf32>
    tpu.vector_store %arg9[%swap3A, %swap3A_66, %swap3A_67], %swap3A_70 {strides = array<i32>} : memref<1x256x256xf32, #tpu.memory_space<vmem>>, vector<1x256x256xf32>,
    %get3A_71 = arith.constant 0 : index
    %get3A_72 = arith.constant 0 : index
    %get3A_73 = vector.load %arg6[%get3A_71, %get3A_72] : memref<256x1xf32, #tpu.memory_space<vmem>>, vector<256x1xf32>
    %sub3A = arith.constant 1.000000e+00 : f32
    %sub3A_74 = vector.broadcast %sub3A : f32 to vector<256x1xf32>
    %sub3A_75 = arith.subf %sub3A_74, %get3A_73 : vector<256x1xf32>
    %mul3A_76 = vector.broadcast %sub3A_75 : vector<256x1xf32> to vector<256x256xf32>
    %mul3A_77 = arith.mulf %mul3A_65, %mul3A_76 : vector<256x256xf32>
    %get3A_78 = arith.constant 0 : index
    %get3A_79 = arith.constant 0 : index
    %get3A_80 = vector.load %arg4[%get3A_78, %get3A_79] : memref<1x256xf32, #tpu.memory_space<vmem>>, vector<1x256xf32>
    %mul3A_81 = vector.broadcast %get3A_80 : vector<1x256xf32> to vector<256x256xf32>
    %mul3A_82 = vector.broadcast %get3A_73 : vector<256x1xf32> to vector<256x256xf32>
    %mul3A_83 = arith.mulf %mul3A_81, %mul3A_82 : vector<256x256xf32>
    %add3A_84 = arith.addf %mul3A_77, %mul3A_83 : vector<256x256xf32>
    %get3A_85 = arith.constant 0 : index
    %get3A_86 = arith.constant 0 : index
    %get3A_87 = vector.load %arg5[%get3A_85, %get3A_86] : memref<1x256xf32, #tpu.memory_space<vmem>>, vector<1x256xf32>
    %broadcast_in_dim3A = arith.constant 0.000000e+00 : f32
    %broadcast_in_dim3A_88 = vector.broadcast %broadcast_in_dim3A : f32 to vector<127x256xf32>
    %concatenate3A_89 = tpu.concatenate %get3A_87, %add3A_84, %broadcast_in_dim3A_88 in 0 : vector<1x256xf32>, vector<256x256xf32>, vector<127x256xf32> -> vector<384x256xf32>
    %get3A_90 = arith.constant 0 : index
    %get3A_91 = arith.constant 0 : index
    %get3A_92 = vector.load %arg7[%get3A_90, %get3A_91] : memref<256x768xf32, #tpu.memory_space<vmem>>, vector<256x768xf32>
    %dot_general3A_93 = arith.constant dense<0.000000e+00> : vector<384x768xf32>
    %dot_general3A_94 = tpu.matmul %concatenate3A_89, %get3A_92, %dot_general3A_93 {dimension_numbers = #tpu.dot_dimension_numbers<[1], [0], [0], [1], [0, 0, 1, 1], [], []>, transpose_lhs_hint = false} : vector<384x256xf32>, vector<256x768xf32>, vector<384x768xf32> -> vector<384x768xf32>
    %slice3A_95 = vector.extract_strided_slice %dot_general3A_94 {offsets = [0, 0], sizes = [384, 256], strides = [1, 1]} : vector<384x768xf32> to vector<384x256xf32>
    %slice3A_96 = vector.extract_strided_slice %dot_general3A_94 {offsets = [0, 256], sizes = [384, 256], strides = [1, 1]} : vector<384x768xf32> to vector<384x256xf32>
    %slice3A_97 = vector.extract_strided_slice %dot_general3A_94 {offsets = [0, 512], sizes = [384, 256], strides = [1, 1]} : vector<384x768xf32> to vector<384x256xf32>
    %slice3A_98 = vector.extract_strided_slice %slice3A_95 {offsets = [0, 0], sizes = [384, 32], strides = [1, 1]} : vector<384x256xf32> to vector<384x32xf32>
    %slice3A_99 = vector.extract_strided_slice %slice3A_96 {offsets = [0, 0], sizes = [384, 32], strides = [1, 1]} : vector<384x256xf32> to vector<384x32xf32>
    %slice3A_100 = vector.extract_strided_slice %slice3A_97 {offsets = [0, 0], sizes = [384, 32], strides = [1, 1]} : vector<384x256xf32> to vector<384x32xf32>
    %dot_general3A_101 = arith.constant dense<0.000000e+00> : vector<384x384xf32>
    %dot_general3A_102 = tpu.matmul %slice3A_98, %slice3A_99, %dot_general3A_101 {dimension_numbers = #tpu.dot_dimension_numbers<[1], [1], [0], [0], [0, 0, 1, 0], [], []>, transpose_lhs_hint = false} : vector<384x32xf32>, vector<384x32xf32>, vector<384x384xf32> -> vector<384x384xf32>
    %mul3A_103 = arith.constant 0.176776692 : f32
    %mul3A_104 = vector.broadcast %mul3A_103 : f32 to vector<384x384xf32>
    %mul3A_105 = arith.mulf %dot_general3A_102, %mul3A_104 : vector<384x384xf32>
    %exp3A = math.exp %mul3A_105 : vector<384x384xf32>
    %reduce_sum3A = arith.constant dense<0.000000e+00> : vector<384xf32>
    %reduce_sum3A_106 = vector.multi_reduction <add>, %exp3A, %reduce_sum3A [1] : vector<384x384xf32> to vector<384xf32>
    %broadcast_in_dim3A_107 = vector.shape_cast %reduce_sum3A_106 : vector<384xf32> to vector<384x1xf32>
    %sub3A_108 = arith.constant 1.270000e+02 : f32
    %sub3A_109 = vector.broadcast %sub3A_108 : f32 to vector<384x1xf32>
    %sub3A_110 = arith.subf %broadcast_in_dim3A_107, %sub3A_109 : vector<384x1xf32>
    %dot_general3A_111 = arith.constant dense<0.000000e+00> : vector<384x32xf32>
    %dot_general3A_112 = tpu.matmul %exp3A, %slice3A_100, %dot_general3A_111 {dimension_numbers = #tpu.dot_dimension_numbers<[1], [0], [0], [1], [0, 0, 1, 1], [], []>, transpose_lhs_hint = false} : vector<384x384xf32>, vector<384x32xf32>, vector<384x32xf32> -> vector<384x32xf32>
    %div3A = vector.broadcast %sub3A_110 : vector<384x1xf32> to vector<384x32xf32>
    %div3A_113 = arith.divf %dot_general3A_112, %div3A : vector<384x32xf32>
    %slice3A_114 = vector.extract_strided_slice %slice3A_95 {offsets = [0, 32], sizes = [384, 32], strides = [1, 1]} : vector<384x256xf32> to vector<384x32xf32>
    %slice3A_115 = vector.extract_strided_slice %slice3A_96 {offsets = [0, 32], sizes = [384, 32], strides = [1, 1]} : vector<384x256xf32> to vector<384x32xf32>
    %slice3A_116 = vector.extract_strided_slice %slice3A_97 {offsets = [0, 32], sizes = [384, 32], strides = [1, 1]} : vector<384x256xf32> to vector<384x32xf32>
    %dot_general3A_117 = arith.constant dense<0.000000e+00> : vector<384x384xf32>
    %dot_general3A_118 = tpu.matmul %slice3A_114, %slice3A_115, %dot_general3A_117 {dimension_numbers = #tpu.dot_dimension_numbers<[1], [1], [0], [0], [0, 0, 1, 0], [], []>, transpose_lhs_hint = false} : vector<384x32xf32>, vector<384x32xf32>, vector<384x384xf32> -> vector<384x384xf32>
    %mul3A_119 = arith.constant 0.176776692 : f32
    %mul3A_120 = vector.broadcast %mul3A_119 : f32 to vector<384x384xf32>
    %mul3A_121 = arith.mulf %dot_general3A_118, %mul3A_120 : vector<384x384xf32>
    %exp3A_122 = math.exp %mul3A_121 : vector<384x384xf32>
    %reduce_sum3A_123 = arith.constant dense<0.000000e+00> : vector<384xf32>
    %reduce_sum3A_124 = vector.multi_reduction <add>, %exp3A_122, %reduce_sum3A_123 [1] : vector<384x384xf32> to vector<384xf32>
    %broadcast_in_dim3A_125 = vector.shape_cast %reduce_sum3A_124 : vector<384xf32> to vector<384x1xf32>
    %sub3A_126 = arith.constant 1.270000e+02 : f32
    %sub3A_127 = vector.broadcast %sub3A_126 : f32 to vector<384x1xf32>
    %sub3A_128 = arith.subf %broadcast_in_dim3A_125, %sub3A_127 : vector<384x1xf32>
    %dot_general3A_129 = arith.constant dense<0.000000e+00> : vector<384x32xf32>
    %dot_general3A_130 = tpu.matmul %exp3A_122, %slice3A_116, %dot_general3A_129 {dimension_numbers = #tpu.dot_dimension_numbers<[1], [0], [0], [1], [0, 0, 1, 1], [], []>, transpose_lhs_hint = false} : vector<384x384xf32>, vector<384x32xf32>, vector<384x32xf32> -> vector<384x32xf32>
    %div3A_131 = vector.broadcast %sub3A_128 : vector<384x1xf32> to vector<384x32xf32>
    %div3A_132 = arith.divf %dot_general3A_130, %div3A_131 : vector<384x32xf32>
    %slice3A_133 = vector.extract_strided_slice %slice3A_95 {offsets = [0, 64], sizes = [384, 32], strides = [1, 1]} : vector<384x256xf32> to vector<384x32xf32>
    %slice3A_134 = vector.extract_strided_slice %slice3A_96 {offsets = [0, 64], sizes = [384, 32], strides = [1, 1]} : vector<384x256xf32> to vector<384x32xf32>
    %slice3A_135 = vector.extract_strided_slice %slice3A_97 {offsets = [0, 64], sizes = [384, 32], strides = [1, 1]} : vector<384x256xf32> to vector<384x32xf32>
    %dot_general3A_136 = arith.constant dense<0.000000e+00> : vector<384x384xf32>
    %dot_general3A_137 = tpu.matmul %slice3A_133, %slice3A_134, %dot_general3A_136 {dimension_numbers = #tpu.dot_dimension_numbers<[1], [1], [0], [0], [0, 0, 1, 0], [], []>, transpose_lhs_hint = false} : vector<384x32xf32>, vector<384x32xf32>, vector<384x384xf32> -> vector<384x384xf32>
    %mul3A_138 = arith.constant 0.176776692 : f32
    %mul3A_139 = vector.broadcast %mul3A_138 : f32 to vector<384x384xf32>
    %mul3A_140 = arith.mulf %dot_general3A_137, %mul3A_139 : vector<384x384xf32>
    %exp3A_141 = math.exp %mul3A_140 : vector<384x384xf32>
    %reduce_sum3A_142 = arith.constant dense<0.000000e+00> : vector<384xf32>
    %reduce_sum3A_143 = vector.multi_reduction <add>, %exp3A_141, %reduce_sum3A_142 [1] : vector<384x384xf32> to vector<384xf32>
    %broadcast_in_dim3A_144 = vector.shape_cast %reduce_sum3A_143 : vector<384xf32> to vector<384x1xf32>
    %sub3A_145 = arith.constant 1.270000e+02 : f32
    %sub3A_146 = vector.broadcast %sub3A_145 : f32 to vector<384x1xf32>
    %sub3A_147 = arith.subf %broadcast_in_dim3A_144, %sub3A_146 : vector<384x1xf32>
    %dot_general3A_148 = arith.constant dense<0.000000e+00> : vector<384x32xf32>
    %dot_general3A_149 = tpu.matmul %exp3A_141, %slice3A_135, %dot_general3A_148 {dimension_numbers = #tpu.dot_dimension_numbers<[1], [0], [0], [1], [0, 0, 1, 1], [], []>, transpose_lhs_hint = false} : vector<384x384xf32>, vector<384x32xf32>, vector<384x32xf32> -> vector<384x32xf32>
    %div3A_150 = vector.broadcast %sub3A_147 : vector<384x1xf32> to vector<384x32xf32>
    %div3A_151 = arith.divf %dot_general3A_149, %div3A_150 : vector<384x32xf32>
    %slice3A_152 = vector.extract_strided_slice %slice3A_95 {offsets = [0, 96], sizes = [384, 32], strides = [1, 1]} : vector<384x256xf32> to vector<384x32xf32>
    %slice3A_153 = vector.extract_strided_slice %slice3A_96 {offsets = [0, 96], sizes = [384, 32], strides = [1, 1]} : vector<384x256xf32> to vector<384x32xf32>
    %slice3A_154 = vector.extract_strided_slice %slice3A_97 {offsets = [0, 96], sizes = [384, 32], strides = [1, 1]} : vector<384x256xf32> to vector<384x32xf32>
    %dot_general3A_155 = arith.constant dense<0.000000e+00> : vector<384x384xf32>
    %dot_general3A_156 = tpu.matmul %slice3A_152, %slice3A_153, %dot_general3A_155 {dimension_numbers = #tpu.dot_dimension_numbers<[1], [1], [0], [0], [0, 0, 1, 0], [], []>, transpose_lhs_hint = false} : vector<384x32xf32>, vector<384x32xf32>, vector<384x384xf32> -> vector<384x384xf32>
    %mul3A_157 = arith.constant 0.176776692 : f32
    %mul3A_158 = vector.broadcast %mul3A_157 : f32 to vector<384x384xf32>
    %mul3A_159 = arith.mulf %dot_general3A_156, %mul3A_158 : vector<384x384xf32>
    %exp3A_160 = math.exp %mul3A_159 : vector<384x384xf32>
    %reduce_sum3A_161 = arith.constant dense<0.000000e+00> : vector<384xf32>
    %reduce_sum3A_162 = vector.multi_reduction <add>, %exp3A_160, %reduce_sum3A_161 [1] : vector<384x384xf32> to vector<384xf32>
    %broadcast_in_dim3A_163 = vector.shape_cast %reduce_sum3A_162 : vector<384xf32> to vector<384x1xf32>
    %sub3A_164 = arith.constant 1.270000e+02 : f32
    %sub3A_165 = vector.broadcast %sub3A_164 : f32 to vector<384x1xf32>
    %sub3A_166 = arith.subf %broadcast_in_dim3A_163, %sub3A_165 : vector<384x1xf32>
    %dot_general3A_167 = arith.constant dense<0.000000e+00> : vector<384x32xf32>
    %dot_general3A_168 = tpu.matmul %exp3A_160, %slice3A_154, %dot_general3A_167 {dimension_numbers = #tpu.dot_dimension_numbers<[1], [0], [0], [1], [0, 0, 1, 1], [], []>, transpose_lhs_hint = false} : vector<384x384xf32>, vector<384x32xf32>, vector<384x32xf32> -> vector<384x32xf32>
    %div3A_169 = vector.broadcast %sub3A_166 : vector<384x1xf32> to vector<384x32xf32>
    %div3A_170 = arith.divf %dot_general3A_168, %div3A_169 : vector<384x32xf32>
    %slice3A_171 = vector.extract_strided_slice %slice3A_95 {offsets = [0, 128], sizes = [384, 32], strides = [1, 1]} : vector<384x256xf32> to vector<384x32xf32>
    %slice3A_172 = vector.extract_strided_slice %slice3A_96 {offsets = [0, 128], sizes = [384, 32], strides = [1, 1]} : vector<384x256xf32> to vector<384x32xf32>
    %slice3A_173 = vector.extract_strided_slice %slice3A_97 {offsets = [0, 128], sizes = [384, 32], strides = [1, 1]} : vector<384x256xf32> to vector<384x32xf32>
    %dot_general3A_174 = arith.constant dense<0.000000e+00> : vector<384x384xf32>
    %dot_general3A_175 = tpu.matmul %slice3A_171, %slice3A_172, %dot_general3A_174 {dimension_numbers = #tpu.dot_dimension_numbers<[1], [1], [0], [0], [0, 0, 1, 0], [], []>, transpose_lhs_hint = false} : vector<384x32xf32>, vector<384x32xf32>, vector<384x384xf32> -> vector<384x384xf32>
    %mul3A_176 = arith.constant 0.176776692 : f32
    %mul3A_177 = vector.broadcast %mul3A_176 : f32 to vector<384x384xf32>
    %mul3A_178 = arith.mulf %dot_general3A_175, %mul3A_177 : vector<384x384xf32>
    %exp3A_179 = math.exp %mul3A_178 : vector<384x384xf32>
    %reduce_sum3A_180 = arith.constant dense<0.000000e+00> : vector<384xf32>
    %reduce_sum3A_181 = vector.multi_reduction <add>, %exp3A_179, %reduce_sum3A_180 [1] : vector<384x384xf32> to vector<384xf32>
    %broadcast_in_dim3A_182 = vector.shape_cast %reduce_sum3A_181 : vector<384xf32> to vector<384x1xf32>
    %sub3A_183 = arith.constant 1.270000e+02 : f32
    %sub3A_184 = vector.broadcast %sub3A_183 : f32 to vector<384x1xf32>
    %sub3A_185 = arith.subf %broadcast_in_dim3A_182, %sub3A_184 : vector<384x1xf32>
    %dot_general3A_186 = arith.constant dense<0.000000e+00> : vector<384x32xf32>
    %dot_general3A_187 = tpu.matmul %exp3A_179, %slice3A_173, %dot_general3A_186 {dimension_numbers = #tpu.dot_dimension_numbers<[1], [0], [0], [1], [0, 0, 1, 1], [], []>, transpose_lhs_hint = false} : vector<384x384xf32>, vector<384x32xf32>, vector<384x32xf32> -> vector<384x32xf32>
    %div3A_188 = vector.broadcast %sub3A_185 : vector<384x1xf32> to vector<384x32xf32>
    %div3A_189 = arith.divf %dot_general3A_187, %div3A_188 : vector<384x32xf32>
    %slice3A_190 = vector.extract_strided_slice %slice3A_95 {offsets = [0, 160], sizes = [384, 32], strides = [1, 1]} : vector<384x256xf32> to vector<384x32xf32>
    %slice3A_191 = vector.extract_strided_slice %slice3A_96 {offsets = [0, 160], sizes = [384, 32], strides = [1, 1]} : vector<384x256xf32> to vector<384x32xf32>
    %slice3A_192 = vector.extract_strided_slice %slice3A_97 {offsets = [0, 160], sizes = [384, 32], strides = [1, 1]} : vector<384x256xf32> to vector<384x32xf32>
    %dot_general3A_193 = arith.constant dense<0.000000e+00> : vector<384x384xf32>
    %dot_general3A_194 = tpu.matmul %slice3A_190, %slice3A_191, %dot_general3A_193 {dimension_numbers = #tpu.dot_dimension_numbers<[1], [1], [0], [0], [0, 0, 1, 0], [], []>, transpose_lhs_hint = false} : vector<384x32xf32>, vector<384x32xf32>, vector<384x384xf32> -> vector<384x384xf32>
    %mul3A_195 = arith.constant 0.176776692 : f32
    %mul3A_196 = vector.broadcast %mul3A_195 : f32 to vector<384x384xf32>
    %mul3A_197 = arith.mulf %dot_general3A_194, %mul3A_196 : vector<384x384xf32>
    %exp3A_198 = math.exp %mul3A_197 : vector<384x384xf32>
    %reduce_sum3A_199 = arith.constant dense<0.000000e+00> : vector<384xf32>
    %reduce_sum3A_200 = vector.multi_reduction <add>, %exp3A_198, %reduce_sum3A_199 [1] : vector<384x384xf32> to vector<384xf32>
    %broadcast_in_dim3A_201 = vector.shape_cast %reduce_sum3A_200 : vector<384xf32> to vector<384x1xf32>
    %sub3A_202 = arith.constant 1.270000e+02 : f32
    %sub3A_203 = vector.broadcast %sub3A_202 : f32 to vector<384x1xf32>
    %sub3A_204 = arith.subf %broadcast_in_dim3A_201, %sub3A_203 : vector<384x1xf32>
    %dot_general3A_205 = arith.constant dense<0.000000e+00> : vector<384x32xf32>
    %dot_general3A_206 = tpu.matmul %exp3A_198, %slice3A_192, %dot_general3A_205 {dimension_numbers = #tpu.dot_dimension_numbers<[1], [0], [0], [1], [0, 0, 1, 1], [], []>, transpose_lhs_hint = false} : vector<384x384xf32>, vector<384x32xf32>, vector<384x32xf32> -> vector<384x32xf32>
    %div3A_207 = vector.broadcast %sub3A_204 : vector<384x1xf32> to vector<384x32xf32>
    %div3A_208 = arith.divf %dot_general3A_206, %div3A_207 : vector<384x32xf32>
    %slice3A_209 = vector.extract_strided_slice %slice3A_95 {offsets = [0, 192], sizes = [384, 32], strides = [1, 1]} : vector<384x256xf32> to vector<384x32xf32>
    %slice3A_210 = vector.extract_strided_slice %slice3A_96 {offsets = [0, 192], sizes = [384, 32], strides = [1, 1]} : vector<384x256xf32> to vector<384x32xf32>
    %slice3A_211 = vector.extract_strided_slice %slice3A_97 {offsets = [0, 192], sizes = [384, 32], strides = [1, 1]} : vector<384x256xf32> to vector<384x32xf32>
    %dot_general3A_212 = arith.constant dense<0.000000e+00> : vector<384x384xf32>
    %dot_general3A_213 = tpu.matmul %slice3A_209, %slice3A_210, %dot_general3A_212 {dimension_numbers = #tpu.dot_dimension_numbers<[1], [1], [0], [0], [0, 0, 1, 0], [], []>, transpose_lhs_hint = false} : vector<384x32xf32>, vector<384x32xf32>, vector<384x384xf32> -> vector<384x384xf32>
    %mul3A_214 = arith.constant 0.176776692 : f32
    %mul3A_215 = vector.broadcast %mul3A_214 : f32 to vector<384x384xf32>
    %mul3A_216 = arith.mulf %dot_general3A_213, %mul3A_215 : vector<384x384xf32>
    %exp3A_217 = math.exp %mul3A_216 : vector<384x384xf32>
    %reduce_sum3A_218 = arith.constant dense<0.000000e+00> : vector<384xf32>
    %reduce_sum3A_219 = vector.multi_reduction <add>, %exp3A_217, %reduce_sum3A_218 [1] : vector<384x384xf32> to vector<384xf32>
    %broadcast_in_dim3A_220 = vector.shape_cast %reduce_sum3A_219 : vector<384xf32> to vector<384x1xf32>
    %sub3A_221 = arith.constant 1.270000e+02 : f32
    %sub3A_222 = vector.broadcast %sub3A_221 : f32 to vector<384x1xf32>
    %sub3A_223 = arith.subf %broadcast_in_dim3A_220, %sub3A_222 : vector<384x1xf32>
    %dot_general3A_224 = arith.constant dense<0.000000e+00> : vector<384x32xf32>
    %dot_general3A_225 = tpu.matmul %exp3A_217, %slice3A_211, %dot_general3A_224 {dimension_numbers = #tpu.dot_dimension_numbers<[1], [0], [0], [1], [0, 0, 1, 1], [], []>, transpose_lhs_hint = false} : vector<384x384xf32>, vector<384x32xf32>, vector<384x32xf32> -> vector<384x32xf32>
    %div3A_226 = vector.broadcast %sub3A_223 : vector<384x1xf32> to vector<384x32xf32>
    %div3A_227 = arith.divf %dot_general3A_225, %div3A_226 : vector<384x32xf32>
    %slice3A_228 = vector.extract_strided_slice %slice3A_95 {offsets = [0, 224], sizes = [384, 32], strides = [1, 1]} : vector<384x256xf32> to vector<384x32xf32>
    %slice3A_229 = vector.extract_strided_slice %slice3A_96 {offsets = [0, 224], sizes = [384, 32], strides = [1, 1]} : vector<384x256xf32> to vector<384x32xf32>
    %slice3A_230 = vector.extract_strided_slice %slice3A_97 {offsets = [0, 224], sizes = [384, 32], strides = [1, 1]} : vector<384x256xf32> to vector<384x32xf32>
    %dot_general3A_231 = arith.constant dense<0.000000e+00> : vector<384x384xf32>
    %dot_general3A_232 = tpu.matmul %slice3A_228, %slice3A_229, %dot_general3A_231 {dimension_numbers = #tpu.dot_dimension_numbers<[1], [1], [0], [0], [0, 0, 1, 0], [], []>, transpose_lhs_hint = false} : vector<384x32xf32>, vector<384x32xf32>, vector<384x384xf32> -> vector<384x384xf32>
    %mul3A_233 = arith.constant 0.176776692 : f32
    %mul3A_234 = vector.broadcast %mul3A_233 : f32 to vector<384x384xf32>
    %mul3A_235 = arith.mulf %dot_general3A_232, %mul3A_234 : vector<384x384xf32>
    %exp3A_236 = math.exp %mul3A_235 : vector<384x384xf32>
    %reduce_sum3A_237 = arith.constant dense<0.000000e+00> : vector<384xf32>
    %reduce_sum3A_238 = vector.multi_reduction <add>, %exp3A_236, %reduce_sum3A_237 [1] : vector<384x384xf32> to vector<384xf32>
    %broadcast_in_dim3A_239 = vector.shape_cast %reduce_sum3A_238 : vector<384xf32> to vector<384x1xf32>
    %sub3A_240 = arith.constant 1.270000e+02 : f32
    %sub3A_241 = vector.broadcast %sub3A_240 : f32 to vector<384x1xf32>
    %sub3A_242 = arith.subf %broadcast_in_dim3A_239, %sub3A_241 : vector<384x1xf32>
    %dot_general3A_243 = arith.constant dense<0.000000e+00> : vector<384x32xf32>
    %dot_general3A_244 = tpu.matmul %exp3A_236, %slice3A_230, %dot_general3A_243 {dimension_numbers = #tpu.dot_dimension_numbers<[1], [0], [0], [1], [0, 0, 1, 1], [], []>, transpose_lhs_hint = false} : vector<384x384xf32>, vector<384x32xf32>, vector<384x32xf32> -> vector<384x32xf32>
    %div3A_245 = vector.broadcast %sub3A_242 : vector<384x1xf32> to vector<384x32xf32>
    %div3A_246 = arith.divf %dot_general3A_244, %div3A_245 : vector<384x32xf32>
    %concatenate3A_247 = tpu.concatenate %div3A_113, %div3A_132, %div3A_151, %div3A_170, %div3A_189, %div3A_208, %div3A_227, %div3A_246 in 1 : vector<384x32xf32>, vector<384x32xf32>, vector<384x32xf32>, vector<384x32xf32>, vector<384x32xf32>, vector<384x32xf32>, vector<384x32xf32>, vector<384x32xf32> -> vector<384x256xf32>
    %get3A_248 = arith.constant 0 : index
    %get3A_249 = arith.constant 0 : index
    %get3A_250 = vector.load %arg8[%get3A_248, %get3A_249] : memref<256x256xf32, #tpu.memory_space<vmem>>, vector<256x256xf32>
    %dot_general3A_251 = arith.constant dense<0.000000e+00> : vector<384x256xf32>
    %dot_general3A_252 = tpu.matmul %concatenate3A_247, %get3A_250, %dot_general3A_251 {dimension_numbers = #tpu.dot_dimension_numbers<[1], [0], [0], [1], [0, 0, 1, 1], [], []>, transpose_lhs_hint = false} : vector<384x256xf32>, vector<256x256xf32>, vector<384x256xf32> -> vector<384x256xf32>
    %dot_general3A_253 = arith.constant dense<0.000000e+00> : vector<256x384xf32>
    %dot_general3A_254 = tpu.matmul %get3A_250, %concatenate3A_247, %dot_general3A_253 {dimension_numbers = #tpu.dot_dimension_numbers<[0], [1], [1], [0], [0, 1, 1, 0], [], []>, transpose_lhs_hint = false} : vector<256x256xf32>, vector<384x256xf32>, vector<256x384xf32> -> vector<256x384xf32>
    %slice3A_255 = vector.extract_strided_slice %dot_general3A_254 {offsets = [0, 0], sizes = [256, 257], strides = [1, 1]} : vector<256x384xf32> to vector<256x257xf32>
    %swap3A_256 = arith.constant 0 : index
    %swap3A_257 = arith.constant 0 : index
    %swap3A_258 = arith.constant 0 : index
    %swap3A_259 = vector.load %arg10[%swap3A_256, %swap3A_257, %swap3A_258] : memref<1x256x257xf32, #tpu.memory_space<vmem>>, vector<1x256x257xf32>
    %swap3A_260 = vector.shape_cast %swap3A_259 : vector<1x256x257xf32> to vector<256x257xf32>
    %swap3A_261 = vector.shape_cast %slice3A_255 : vector<256x257xf32> to vector<1x256x257xf32>
    tpu.vector_store %arg10[%swap3A_256, %swap3A_257, %swap3A_258], %swap3A_261 {strides = array<i32>} : memref<1x256x257xf32, #tpu.memory_space<vmem>>, vector<1x256x257xf32>,
    %slice3A_262 = vector.extract_strided_slice %dot_general3A_252 {offsets = [1, 0], sizes = [256, 256], strides = [1, 1]} : vector<384x256xf32> to vector<256x256xf32>
    %dot_general3A_263 = arith.constant dense<0.000000e+00> : vector<256x256xf32>
    %dot_general3A_264 = tpu.matmul %slice3A_262, %mul3A_65, %dot_general3A_263 {dimension_numbers = #tpu.dot_dimension_numbers<[1], [1], [0], [0], [0, 0, 1, 0], [], []>, transpose_lhs_hint = false} : vector<256x256xf32>, vector<256x256xf32>, vector<256x256xf32> -> vector<256x256xf32>
    %broadcast_in_dim3A_265 = arith.constant 1.000000e+00 : f32
    %broadcast_in_dim3A_266 = vector.broadcast %broadcast_in_dim3A_265 : f32 to vector<1x256xf32>
    %mul3A_267 = arith.mulf %mul3A_65, %mul3A_65 : vector<256x256xf32>
    %dot_general3A_268 = arith.constant dense<0.000000e+00> : vector<1x256xf32>
    %dot_general3A_269 = tpu.matmul %broadcast_in_dim3A_266, %mul3A_267, %dot_general3A_268 {dimension_numbers = #tpu.dot_dimension_numbers<[1], [1], [0], [0], [0, 0, 1, 0], [], []>, transpose_lhs_hint = false} : vector<1x256xf32>, vector<256x256xf32>, vector<1x256xf32> -> vector<1x256xf32>
    %mul3A_270 = arith.mulf %slice3A_262, %slice3A_262 : vector<256x256xf32>
    %reduce_sum3A_271 = arith.constant dense<0.000000e+00> : vector<256xf32>
    %reduce_sum3A_272 = vector.multi_reduction <add>, %mul3A_270, %reduce_sum3A_271 [1] : vector<256x256xf32> to vector<256xf32>
    %broadcast_in_dim3A_273 = vector.shape_cast %reduce_sum3A_272 : vector<256xf32> to vector<256x1xf32>
    %sqrt3A = math.sqrt %broadcast_in_dim3A_273 : vector<256x1xf32>
    %sqrt3A_274 = math.sqrt %dot_general3A_269 : vector<1x256xf32>
    %mul3A_275 = vector.broadcast %sqrt3A : vector<256x1xf32> to vector<256x256xf32>
    %mul3A_276 = vector.broadcast %sqrt3A_274 : vector<1x256xf32> to vector<256x256xf32>
    %mul3A_277 = arith.mulf %mul3A_275, %mul3A_276 : vector<256x256xf32>
    %max3A = arith.constant 9.99999993E-9 : f32
    %max3A_278 = vector.broadcast %max3A : f32 to vector<256x256xf32>
    %max3A_279 = arith.maximumf %mul3A_277, %max3A_278 : vector<256x256xf32>
    %div3A_280 = arith.divf %dot_general3A_264, %max3A_279 : vector<256x256xf32>
    %mul3A_281 = arith.constant 2.000000e+00 : f32
    %mul3A_282 = vector.broadcast %mul3A_281 : f32 to vector<256x256xf32>
    %mul3A_283 = arith.mulf %div3A_280, %mul3A_282 : vector<256x256xf32>
    %add3A_284 = vector.broadcast %broadcast_in_dim3A_273 : vector<256x1xf32> to vector<256x256xf32>
    %add3A_285 = vector.broadcast %dot_general3A_269 : vector<1x256xf32> to vector<256x256xf32>
    %add3A_286 = arith.addf %add3A_284, %add3A_285 : vector<256x256xf32>
    %mul3A_287 = arith.constant 2.000000e+00 : f32
    %mul3A_288 = vector.broadcast %mul3A_287 : f32 to vector<256x256xf32>
    %mul3A_289 = arith.mulf %mul3A_288, %dot_general3A_264 : vector<256x256xf32>
    %sub3A_290 = arith.subf %add3A_286, %mul3A_289 : vector<256x256xf32>
    %add3A_291 = vector.broadcast %broadcast_in_dim3A_273 : vector<256x1xf32> to vector<256x256xf32>
    %add3A_292 = vector.broadcast %dot_general3A_269 : vector<1x256xf32> to vector<256x256xf32>
    %add3A_293 = arith.addf %add3A_291, %add3A_292 : vector<256x256xf32>
    %mul3A_294 = arith.constant 9.99999997E-7 : f32
    %mul3A_295 = vector.broadcast %mul3A_294 : f32 to vector<256x256xf32>
    %mul3A_296 = arith.mulf %add3A_293, %mul3A_295 : vector<256x256xf32>
    %lt3A = arith.cmpf olt, %sub3A_290, %mul3A_296 : vector<256x256xf32>
    %jit3A = arith.constant 0xFF800000 : f32
    %broadcast_in_dim3A_297 = vector.broadcast %jit3A : f32 to vector<256x256xf32>
    %select_n3A = arith.select %lt3A, %broadcast_in_dim3A_297, %mul3A_283 : vector<256x256xi1>, vector<256x256xf32>
    %iota3A = tpu.iota {dimensions = array<i32: 0>} : vector<256x256xi32>
    %iota3A_298 = tpu.iota {dimensions = array<i32: 1>} : vector<256x256xi32>
    %eq3A = arith.cmpi eq, %iota3A, %iota3A_298 : vector<256x256xi32>
    %jit3A_299 = arith.constant 0.000000e+00 : f32
    %broadcast_in_dim3A_300 = vector.broadcast %jit3A_299 : f32 to vector<256x256xf32>
    %select_n3A_301 = arith.select %eq3A, %mul3A_283, %broadcast_in_dim3A_300 : vector<256x256xi1>, vector<256x256xf32>
    %reduce_sum3A_302 = arith.constant dense<0.000000e+00> : vector<256xf32>
    %reduce_sum3A_303 = vector.multi_reduction <add>, %select_n3A_301, %reduce_sum3A_302 [1] : vector<256x256xf32> to vector<256xf32>
    %broadcast_in_dim3A_304 = vector.shape_cast %reduce_sum3A_303 : vector<256xf32> to vector<256x1xf32>
    %broadcast_in_dim3A_305 = arith.constant 0.000000e+00 : f32
    %broadcast_in_dim3A_306 = vector.broadcast %broadcast_in_dim3A_305 : f32 to vector<256x7xf32>
    %concatenate3A_307 = tpu.concatenate %select_n3A, %broadcast_in_dim3A_304, %broadcast_in_dim3A_306 in 1 : vector<256x256xf32>, vector<256x1xf32>, vector<256x7xf32> -> vector<256x264xf32>
    %swap3A_308 = arith.constant 0 : index
    %swap3A_309 = arith.constant 0 : index
    %swap3A_310 = arith.constant 0 : index
    %swap3A_311 = vector.load %arg11[%swap3A_308, %swap3A_309, %swap3A_310] : memref<1x256x264xf32, #tpu.memory_space<vmem>>, vector<1x256x264xf32>
    %swap3A_312 = vector.shape_cast %swap3A_311 : vector<1x256x264xf32> to vector<256x264xf32>
    %swap3A_313 = vector.shape_cast %concatenate3A_307 : vector<256x264xf32> to vector<1x256x264xf32>
    tpu.vector_store %arg11[%swap3A_308, %swap3A_309, %swap3A_310], %swap3A_313 {strides = array<i32>} : memref<1x256x264xf32, #tpu.memory_space<vmem>>, vector<1x256x264xf32>,
    return
  }
  func.func @transform_0(%arg0: i32) -> (i32, i32, i32) {
    %c0_i32 = arith.constant 0 : i32
    %c0_i32_0 = arith.constant 0 : i32
    %c0_i32_1 = arith.constant 0 : i32
    return %arg0, %c0_i32, %c0_i32_0 : i32, i32, i32
  }
  func.func @transform_1(%arg0: i32) -> (i32, i32) {
    %c0_i32 = arith.constant 0 : i32
    %c0_i32_0 = arith.constant 0 : i32
    %c0_i32_1 = arith.constant 0 : i32
    return %c0_i32, %c0_i32_0 : i32, i32
  }
  func.func @transform_2(%arg0: i32) -> (i32, i32) {
    %c0_i32 = arith.constant 0 : i32
    %c0_i32_0 = arith.constant 0 : i32
    %c0_i32_1 = arith.constant 0 : i32
    return %c0_i32, %c0_i32_0 : i32, i32
  }
  func.func @transform_3(%arg0: i32) -> (i32, i32) {
    %c0_i32 = arith.constant 0 : i32
    %c0_i32_0 = arith.constant 0 : i32
    %c0_i32_1 = arith.constant 0 : i32
    return %c0_i32, %c0_i32_0 : i32, i32
  }
  func.func @transform_4(%arg0: i32) -> (i32, i32) {
    %c0_i32 = arith.constant 0 : i32
    %c0_i32_0 = arith.constant 0 : i32
    %c0_i32_1 = arith.constant 0 : i32
    return %c0_i32, %c0_i32_0 : i32, i32
  }
  func.func @transform_5(%arg0: i32) -> (i32, i32) {
    %c0_i32 = arith.constant 0 : i32
    %c0_i32_0 = arith.constant 0 : i32
    %c0_i32_1 = arith.constant 0 : i32
    return %c0_i32, %c0_i32_0 : i32, i32
  }
  func.func @transform_6(%arg0: i32) -> (i32, i32) {
    %c0_i32 = arith.constant 0 : i32
    %c0_i32_0 = arith.constant 0 : i32
    %c0_i32_1 = arith.constant 0 : i32
    return %c0_i32, %c0_i32_0 : i32, i32
  }
  func.func @transform_7(%arg0: i32) -> (i32, i32) {
    %c0_i32 = arith.constant 0 : i32
    %c0_i32_0 = arith.constant 0 : i32
    %c0_i32_1 = arith.constant 0 : i32
    return %c0_i32, %c0_i32_0 : i32, i32
  }
  func.func @transform_8(%arg0: i32) -> (i32, i32, i32) {
    %c0_i32 = arith.constant 0 : i32
    %c0_i32_0 = arith.constant 0 : i32
    %c0_i32_1 = arith.constant 0 : i32
    return %arg0, %c0_i32, %c0_i32_0 : i32, i32, i32
  }
  func.func @transform_9(%arg0: i32) -> (i32, i32, i32) {
    %c0_i32 = arith.constant 0 : i32
    %c0_i32_0 = arith.constant 0 : i32
    %c0_i32_1 = arith.constant 0 : i32
    return %arg0, %c0_i32, %c0_i32_0 : i32, i32, i32
  }
  func.func @transform_10(%arg0: i32) -> (i32, i32, i32) {
    %c0_i32 = arith.constant 0 : i32
    %c0_i32_0 = arith.constant 0 : i32
    %c0_i32_1 = arith.constant 0 : i32
    return %arg0, %c0_i32, %c0_i32_0 : i32, i32, i32
  }
}

</mosaic_0001>

<sc_bundles>
// kernel: kernel.4.cloned.1.call-start
scs
__scs_entry_jumppad:
0x0: {  	(pc) =	sbr.rel $0x88, $3  }
0x1: {  	(tag) =	ssettag $0x0;
	lr =	simm.s32 $0x1  }
0x2: {  	[smem:$0x3F9A] =	sst lr;
	_ =	strace $0xD0000000  }
0x3: {  	_ = 	snop  }
0x4: {  	_ = 	snop  }
0x5: {  	_ = 	snop  }
0x6: {  	_ = 	snop  }
0x7: {  	_ = 	snop  }
__scs_overlays_trampoline_lowered:
0x8: {  	[smem:$0x3FA9] =	sst s0  }
0x9: {  	[smem:$0x3FAA] =	sst s1  }
0xa: {  	[smem:$0x3FAB] =	sst s2  }
0xb: {  	[smem:$0x3FAC] =	sst s3  }
0xc: {  	[smem:$0x3FAD] =	sst s4  }
0xd: {  	[smem:$0x3FAE] =	sst s5  }
0xe: {  	[smem:$0x3FAF] =	sst s6  }
0xf: {  	[smem:$0x3FB0] =	sst s7  }
0x10: {  	[smem:$0x3FB1] =	sst s8  }
0x11: {  	[smem:$0x3FB2] =	sst s9;
	s0 =	simm.s32 @!p0 $0x0  }
0x12: {  	s1 =	sld [smem:$0x3F98];
	s0 =	simm.s32 @p0 $0x1  }
0x13: {  	[smem:$0x3FB3] =	sst s0;
	s0 =	simm.s32 @!p1 $0x0  }
0x14: {  	s2 =	sld [smem:$0x3F97];
	s0 =	simm.s32 @p1 $0x1  }
0x15: {  	[smem:$0x3FB4] =	sst s0;
	s0 =	simm.s32 @!p2 $0x0  }
0x16: {  	s3 =	sld [smem:$0x3FDB];
	s0 =	simm.s32 @p2 $0x1  }
0x17: {  	s4 =	simm.s32 $0x1BF5;
	[smem:$0x3FB6] =	sst s0  }
0x18: {  	s0 =	sld [smem:$0x3F99];
	_ =	swait.ge [sflag:s4], $0x0  }
0x19: {  	s7 =	sld [smem:$0x3F9A]  }
0x1a: {  	s8 =	sadd.s32 $0xFFFFE003, lr  }
0x1b: {  	s9 =	sadd.s32 $0xFFFFFEF7, lr;
	s5 =	simm.s32 $0xFFFFFFFF;
	p2 =	slt.u32 s8, $0xFFFFF086  }
0x1c: {  	p1 =	slt.u32 s9, $0xF7A;
	s5 =	simm.s32 @!p2 $0x0  }
0x1d: {  	s5 =	simm.s32 @p1 $0x1;
	p0 =	seq.s32 s7, s2  }
0x1e: {  	s7 =	smul.u32 @!p0 $0xF7A, s2;
	p2 =	seq.s32 @!p0 s5, $0x0  }
0x1f: {  	s9 =	smul.u32 $0xF7A, s1;
	s8 =	simm.s32 @!p0 $0x1BF5;
	p2 =	por !p2, p0  }
0x20: {  	[sflag:s8] =	ssyncset.s32 @!p0 $0xFFFFF086;
	s6 =	sadd.s32 @!p0 s3, s7;
	s7 =	simm.s32 @!p0 $0x108  }
0x21: {  	s3 =	sadd.s32 s3, s9;
	s6 =	sadd.s32 @!p0 $0x88, s6;
	s7 =	simm.s32 @p2 $0x1082  }
0x22: {  	[simem:s7], [sflag:s8] =	dma.local @!p0 [hbm:s6], $0xF7A  }
0x23: {  	s9 =	sor.u32 $0xD0000000, s2;
	s6 =	simm.s32 $0x108;
	_ =	swait.ge @!p0 [sflag:s8], $0x0  }
0x24: {  	s3 =	sadd.s32 $0x88, s3;
	s6 =	simm.s32 @!p1 $0x1082;
	[sflag:s4] =	ssyncset.s32 $0xFFFFF086  }
0x25: {  	[simem:s6], [sflag:s4] =	dma.local [hbm:s3], $0xF7A  }
0x26: {  	[smem:$0x3F9A] =	sst s1;
	(tag) =	ssettag s2;
	_ =	strace s9  }
0x27: {  	s1 =	sld [smem:$0x3FAA]  }
0x28: {  	s2 =	sld [smem:$0x3FAB]  }
0x29: {  	s4 =	sld [smem:$0x3FAD]  }
0x2a: {  	p0 =	seq.s32 s5, $0x0;
	s5 =	sld [smem:$0x3FAE]  }
0x2b: {  	s6 =	sld [smem:$0x3FAF]  }
0x2c: {  	s7 =	sld [smem:$0x3FB0]  }
0x2d: {  	s3 =	simm.s32 $0x108;
	s8 =	sld [smem:$0x3FB1]  }
0x2e: {  	s3 =	simm.s32 @!p0 $0x1082;
	s9 =	sld [smem:$0x3FB2]  }
0x2f: {  	lr =	sadd.s32 s0, s3;
	s0 =	sld [smem:$0x3FA9]  }
0x30: {  	s3 =	sld [smem:$0x3FAC]  }
0x31: {  	[smem:$0x3FB5] =	sst s10  }
0x32: {  	s10 =	sld [smem:$0x3FB3];
	_ =	sdelay $0x3  }
0x33: {  	p0 =	seq.s32 s10, $0x1;
	s10 =	sld [smem:$0x3FB5];
	_ =	sdelay $0x3  }
0x34: {  	[smem:$0x3FB5] =	sst s10  }
0x35: {  	s10 =	sld [smem:$0x3FB4];
	_ =	sdelay $0x3  }
0x36: {  	p1 =	seq.s32 s10, $0x1;
	s10 =	sld [smem:$0x3FB5];
	_ =	sdelay $0x3  }
0x37: {  	[smem:$0x3FB5] =	sst s10  }
0x38: {  	s10 =	sld [smem:$0x3FB6]  }
0x39: {  	_ = 	snop;
	(pc) =	sbr.ind lr, $3  }
0x3a: {  	_ = 	snop  }
0x3b: {  	_ = 	snop  }
0x3c: {  	p2 =	seq.s32 s10, $0x1;
	s10 =	sld [smem:$0x3FB5]  }
0x3d: {  	_ =	shalt  }
0x3e: {  	_ =	shalt  }
0x3f: {  	_ =	shalt  }
0x40: {  	_ =	shalt  }
0x41: {  	_ =	shalt  }
0x42: {  	_ =	shalt  }
0x43: {  	_ =	shalt  }
0x44: {  	_ =	shalt  }
0x45: {  	_ =	shalt  }
0x46: {  	_ =	shalt  }
0x47: {  	_ =	shalt  }
0x48: {  	_ =	shalt  }
0x49: {  	_ =	shalt  }
0x4a: {  	_ =	shalt  }
0x4b: {  	_ =	shalt  }
0x4c: {  	_ =	shalt  }
0x4d: {  	_ =	shalt  }
0x4e: {  	_ =	shalt  }
0x4f: {  	_ =	shalt  }
0x50: {  	_ =	shalt  }
0x51: {  	_ =	shalt  }
0x52: {  	_ =	shalt  }
0x53: {  	_ =	shalt  }
0x54: {  	_ =	shalt  }
0x55: {  	_ =	shalt  }
0x56: {  	_ =	shalt  }
0x57: {  	_ =	shalt  }
0x58: {  	_ =	shalt  }
0x59: {  	_ =	shalt  }
0x5a: {  	_ =	shalt  }
0x5b: {  	_ =	shalt  }
0x5c: {  	_ =	shalt  }
0x5d: {  	_ =	shalt  }
0x5e: {  	_ =	shalt  }
0x5f: {  	_ =	shalt  }
0x60: {  	_ =	shalt  }
0x61: {  	_ =	shalt  }
0x62: {  	_ =	shalt  }
0x63: {  	_ =	shalt  }
0x64: {  	_ =	shalt  }
0x65: {  	_ =	shalt  }
0x66: {  	_ =	shalt  }
0x67: {  	_ =	shalt  }
0x68: {  	_ =	shalt  }
0x69: {  	_ =	shalt  }
0x6a: {  	_ =	shalt  }
0x6b: {  	_ =	shalt  }
0x6c: {  	_ =	shalt  }
0x6d: {  	_ =	shalt  }
0x6e: {  	_ =	shalt  }
0x6f: {  	_ =	shalt  }
0x70: {  	_ =	shalt  }
0x71: {  	_ =	shalt  }
0x72: {  	_ =	shalt  }
0x73: {  	_ =	shalt  }
0x74: {  	_ =	shalt  }
0x75: {  	_ =	shalt  }
0x76: {  	_ =	shalt  }
0x77: {  	_ =	shalt  }
0x78: {  	_ =	shalt  }
0x79: {  	_ =	shalt  }
0x7a: {  	_ =	shalt  }
0x7b: {  	_ =	shalt  }
0x7c: {  	_ =	shalt  }
0x7d: {  	_ =	shalt  }
0x7e: {  	_ =	shalt  }
0x7f: {  	_ =	shalt  }
0x80: {  	_ =	shalt  }
0x81: {  	_ =	shalt  }
0x82: {  	_ =	shalt  }
0x83: {  	_ =	shalt  }
0x84: {  	_ =	shalt  }
0x85: {  	_ =	shalt  }
0x86: {  	_ =	shalt  }
0x87: {  	_ =	shalt  }
.Lfunc_end0:
.L_simem_size_0:
called_computation_lowered:
.L_overlay_start_0:
0x88: {  	s2 =	sld [smem:$0x3FD9]  }
0x89: {  	s3 =	sld [smem:$0x3FFE];
	_ =	sdelay $0x1  }
0x8a: {  	s1 =	srdreg.scid  }
0x8b: {  	s0 =	sand.u32 $0x1, s1  }
0x8c: {  	s16 =	sshll.u32 s0, $0xA;
	s2 =	sadd.s32 s3, s2  }
0x8d: {  	s2 =	sadd.s32 s2, s16  }
0x8e: {  	[smem:$0x3FC1] =	sst s2  }
0x8f: {  	_ = 	snop  }
0x90: {  	(tm) =	ssettm $0x1  }
0x91: {  	s17 =	sld [smem:$0x3FFB];
	_ =	sdelay $0x3  }
0x92: {  	_ =	strace s17  }
0x93: {  	s2 =	sld [smem:$0x3FFC];
	_ =	sdelay $0x3  }
0x94: {  	_ =	strace s2  }
0x95: {  	s2 =	sld [smem:$0x3FFD];
	_ =	sdelay $0x3  }
0x96: {  	_ =	strace s2  }
0x97: {  	_ =	strace $0x8FFFFFFF  }
0x98: {  	s18 =	sld [smem:$0x3FDB];
	_ =	sdelay $0x1  }
0x99: {  	s19 =	simm.s32 $_scs_section_size  }
0x9a: {  	s4 =	simm.s32 $_size__tile_overlayer_lowered;
	s5 =	simm.s32 $_tile_overlayer_lowered  }
0x9b: {  	s22 =	simm.s32 $0x1BFF;
	s21 =	sshll.u32 s5, $0x1;
	s2 =	sadd.s32 s19, s18  }
0x9c: {  	s6 =	simm.s32 $0x0;
	s20 =	sshll.u32 s4, $0x1;
	s4 =	sadd.s32 s21, s2  }
0x9d: {  	[timem:s6], [sflag:s22] =	dma.local [hbm:s4], s20  }
0x9e: {  	_ =	swait.ge [sflag:s22], s20  }
0x9f: {  	s3 =	ssub.s32 $0x0, s20;
	[sflag:s22] =	ssyncset.done $0x0  }
0xa0: {  	[sflag:s22] =	ssyncadd.s32 s3;
	_ =	sdelay $0x1  }
0xa1: {  	s23 =	simm.s32 $0x1B8B  }
0xa2: {  	_ =	swait.ge [sflag:s23], $0x1  }
0xa3: {  	[sflag:s23] =	ssyncset.done $0x0  }
0xa4: {  	s25 =	simm.s32 $0x1B8E;
	s24 =	sld [smem:$0x3FFE];
	[sflag:s23] =	ssyncadd.s32 $0xFFFFFFFF  }
0xa5: {  	s26 =	simm.s32 $execute0_lowered;
	[smem:$0x3FD2] =	sst s25  }
0xa6: {  	s4 =	sshll.u32 s26, $0x1;
	_ =	strace $0x80000046;
	[dreg:$0x1] =	wrdreg $0xFFFFFFFF  }
0xa7: {  	s28 =	simm.s32 $_size_execute0_lowered;
	s2 =	sadd.s32 s2, s4;
	[dreg:$0x0] =	wrdreg $0x0  }
0xa8: {  	s4 =	sshll.u32 s28, $0x1;
	[dreg:$0x2] =	wrdreg s2  }
0xa9: {  	[dreg:$0x3] =	wrdreg s4  }
0xaa: {  	[dreg:$0x4] =	wrdreg $0xC0  }
0xab: {  	_ =	task [dreg:s6], $0x5FFFF  }
0xac: {  	[dreg:$0x1] =	wrdreg $0xFFFFFFFF  }
0xad: {  	[dreg:$0x0] =	wrdreg $0x60  }
0xae: {  	[dreg:$0x2] =	wrdreg s24  }
0xaf: {  	[dreg:$0x3] =	wrdreg $0x9  }
0xb0: {  	_ =	task.clear_ibuf [dreg:s6], $0x4FFFF;
	_ =	strace $0x90000046  }
0xb1: {  	s29 =	simm.s32 $0x9;
	_ =	strace $0x80000048  }
0xb2: {  	_ =	swait.ge [sflag:s29], $0x1  }
0xb3: {  	[sflag:s29] =	ssyncadd.s32 $0xFFFFFFFF  }
0xb4: {  	_ =	strace $0x90000048  }
0xb5: {  	_ =	sfence  }
0xb6: {  	s30 =	sld [smem:$0x0];
	_ =	sdelay $0x2  }
0xb7: {  	s31 =	sshll.u32 s1, $0xD;
	s1 =	sshrl.u32 s1, $0x2  }
0xb8: {  	s3 =	sand.u32 $0x4000, s31;
	s1 =	sadd.s32 s1, s30  }
0xb9: {  	s0 =	sor.u32 s3, s0;
	s1 =	sshll.u32 s1, $0x11  }
0xba: {  	s0 =	sor.u32 s1, s0  }
0xbb: {  	s0 =	sadd.s32 $0x8F2B, s0  }
0xbc: {  	[sflag:s0] =	ssyncadd.remote.s32 $0x1  }
0xbd: {  	_ =	sfence.sel $0xFFFF  }
0xbe: {  	[dreg:$0x0] =	wrdreg $0xFFFFFFFF;
	(pc) =	sbr.abs _section_cstart, $3  }
0xbf: {  	[dreg:$0x1] =	wrdreg $0xFFFFFFFF  }
0xc0: {  	_ =	task.clear_ibuf [dreg:s6], $0x2FFFF;
	_ =	strace $0x9FFFFFFF  }
0xc1: {  	(tm) =	ssettm $0x7FFFFFFF  }
tec
execute0_lowered:
.L_overlay_start_1:
0x0: {  	(tag) =	ssettag $0x1  }
0x1: {  	s1 =	srdreg.scid;
	s0 =	stileid.u32  }
0x2: {  	s3 =	sand.u32 $0x1, s1;
	s30 =	sshll.u32 s0, $0x1  }
0x3: {  	s4 =	rddreg [dreg:$0x0];
	s2 =	simm.s32 $0x0;
	s5 =	sor.u32 s3, s30  }
0x4: {  	s8 =	simm.s32 $0x4200;
	s9 =	simm.s32 $0x5E00;
	s6 =	smul.u32 $0x840, s5  }
0x5: {  	s10 =	simm.s32 $0x0;
	[smem:$0x7FF] =	sst s2;
	s5 =	smul.u32 $0x380, s5  }
0x6: {  	s1 =	rddreg [dreg:$0x1];
	_ =	strace $0x80000047;
	s3 =	ssub.s32 $0x2, s3  }
0x7: {  	s31 =	sshrl.u32 s3, $0x1;
	s6 =	sadd.s32 s6, s4;
	s5 =	sadd.s32 s5, s4  }
0x8: {  	s7 =	ssub.s32 s3, s31;
	s3 =	sadd.s32 $0x1800, s6;
	s4 =	sadd.s32 $0x12000, s5  }
0x9: {  	s5 =	sadd.s32 $0x19000, s5;
	s6 =	smax.u32 s7, $0x1;
	s7 =	simm.s32 $0x1  }
.LBB2_1:
0xa: {  	[tilespmem:s2], [sflag:$0x1] =	stream.linear.gather [hbm4b:s3+s2], $0x4200, $0x38;
	[tilespmem:$0x7A00] =	vst v63  }
0xb: {  	_ =	swait.ge [sflag:s7], $0x4200  }
0xc: {  	[sflag:s7] =	ssyncset.done $0x0  }
0xd: {  	[sflag:s7] =	ssyncadd.s32 $0xFFFFBE00  }
0xe: {  	[tilespmem:s8], [sflag:$0x1] =	stream.linear.gather [hbm4b:s4+s2], $0x1C00, $0x38;
	[tilespmem:$0x7A00] =	vst v63  }
0xf: {  	_ =	swait.ge [sflag:s7], $0x1C00  }
0x10: {  	s11 =	simm.s32 $0x4230;
	[sflag:s7] =	ssyncset.done $0x0  }
0x11: {  	s12 =	simm.s32 $0x5E30;
	s13 =	simm.s32 $0x0;
	[sflag:s7] =	ssyncadd.s32 $0xFFFFE400  }
.LBB2_2:
0x12: {  	v0 =	vld [tilespmem:s11+$0xFFFFFFD0];
	_ =	sdelay $0x4  }
0x13: {  	v0 =	vadd.s32 s13, v0;
	_ =	sdelay $0x4  }
0x14: {  	v0 =	vld.idx.msk [tilespmem:v0+s2+$0x0], $0xffff;
	_ =	sdelay $0x4  }
0x15: {  	[tilespmem:s12+$0xFFFFFFD0] =	vst v0  }
0x16: {  	v0 =	vld [tilespmem:s11+$0xFFFFFFE0];
	_ =	sdelay $0x4  }
0x17: {  	v0 =	vadd.s32 s13, v0;
	_ =	sdelay $0x4  }
0x18: {  	v0 =	vld.idx.msk [tilespmem:v0+s2+$0x0], $0xffff;
	_ =	sdelay $0x4  }
0x19: {  	[tilespmem:s12+$0xFFFFFFE0] =	vst v0  }
0x1a: {  	v0 =	vld [tilespmem:s11+$0xFFFFFFF0];
	_ =	sdelay $0x4  }
0x1b: {  	v0 =	vadd.s32 s13, v0;
	_ =	sdelay $0x4  }
0x1c: {  	v0 =	vld.idx.msk [tilespmem:v0+s2+$0x0], $0xffff;
	_ =	sdelay $0x4  }
0x1d: {  	[tilespmem:s12+$0xFFFFFFF0] =	vst v0  }
0x1e: {  	v0 =	vld [tilespmem:s11+$0x0];
	_ =	sdelay $0x4  }
0x1f: {  	v0 =	vadd.s32 s13, v0;
	_ =	sdelay $0x4  }
0x20: {  	v0 =	vld.idx.msk [tilespmem:v0+s2+$0x0], $0xffff;
	_ =	sdelay $0x4  }
0x21: {  	[tilespmem:s12+$0x0] =	vst v0  }
0x22: {  	v0 =	vld [tilespmem:s11+$0x10];
	_ =	sdelay $0x4  }
0x23: {  	v0 =	vadd.s32 s13, v0;
	_ =	sdelay $0x4  }
0x24: {  	v0 =	vld.idx.msk [tilespmem:v0+s2+$0x0], $0xffff;
	_ =	sdelay $0x4  }
0x25: {  	[tilespmem:s12+$0x10] =	vst v0  }
0x26: {  	v0 =	vld [tilespmem:s11+$0x20];
	_ =	sdelay $0x4  }
0x27: {  	v0 =	vadd.s32 s13, v0;
	_ =	sdelay $0x4  }
0x28: {  	v0 =	vld.idx.msk [tilespmem:v0+s2+$0x0], $0xffff;
	_ =	sdelay $0x4  }
0x29: {  	[tilespmem:s12+$0x20] =	vst v0  }
0x2a: {  	v0 =	vld [tilespmem:s11+$0x30];
	_ =	sdelay $0x4  }
0x2b: {  	v0 =	vadd.s32 s13, v0;
	_ =	sdelay $0x4  }
0x2c: {  	p0 =	sne.s32 s13, $0x40F8;
	v0 =	vld.idx.msk [tilespmem:v0+s2+$0x0], $0xffff  }
.Ltmp0:
0x2d: {  	_ = 	snop;
	(pc) =	sbr.rel @p0 .LBB2_2-.Ltmp0, $2  }
0x2e: {  	_ =	sdelay $0x2  }
0x2f: {  	s11 =	sadd.s32 $0x70, s11;
	s13 =	sadd.s32 $0x108, s13;
	[tilespmem:s12+$0x30] =	vst v0;
	s12 =	sadd.s32 $0x70, s12  }
0x30: {  	s10 =	sadd.s32 $0x1, s10  }
0x31: {  	p0 =	sne.s32 s10, s6  }
.Ltmp1:
0x32: {  	_ = 	snop;
	(pc) =	sbr.rel @p0 .LBB2_1-.Ltmp1, $4  }
0x33: {  	[hbm4b:s5+s2] =	stream.linear.scatter [tilespmem:s9], [sflag:$0x1], $0x1C00, $0x38;
	[tilespmem:$0x7A00] =	vst v63  }
0x34: {  	_ =	swait.ge [sflag:s7], $0x1C00  }
0x35: {  	[sflag:s7] =	ssyncset.done $0x0  }
0x36: {  	[sflag:s7] =	ssyncadd.s32 $0xFFFFE400  }
0x37: {  	_ =	sfence.sel $0x180000  }
0x38: {  	[bflag:$0x0] =	sbarrier.arrive $0xFFFF  }
0x39: {  	p0 =	sne.s32 s0, $0x0;
	_ =	strace $0x90000047  }
0x3a: {  	s0 =	sadd.s32 @!p0 $0x100000, s1;
	[bflag:$0x2] =	sbarrier.arrive $0xFFFF  }
0x3b: {  	[sflag:s0] =	ssyncadd.tile.s32 @!p0 $0x1;
	_ =	shalt  }
.Lfunc_end2:
_tile_overlayer_lowered:
.L_overlay_start_2:
0x3c: {  	(tag) =	ssettag $0x2  }
0x3d: {  	s0 =	rddreg [dreg:$0x0];
	s2 =	stileid.u32  }
0x3e: {  	s1 =	rddreg [dreg:$0x1];
	p0 =	sne.s32 s2, $0x0  }
0x3f: {  	s3 =	rddreg [dreg:$0x2];
	[bflag:$0x3] =	sbarrier.arrive $0xFFFF;
	s2 =	simm.s32 @!p0 $0x1C01  }
0x40: {  	[timem:s3], [sflag:s2] =	dma.local @!p0 [hbm:s0], s1  }
0x41: {  	s0 =	simm.s32 @!p0 $0x1  }
0x42: {  	_ =	swait.ge @!p0 [sflag:s0], s1  }
0x43: {  	s1 =	ssub.s32 @!p0 $0x0, s1;
	[sflag:s0] =	ssyncset.done @!p0 $0x0  }
0x44: {  	[sflag:s0] =	ssyncadd.s32 @!p0 s1  }
0x45: {  	[bflag:$0x3] =	sbarrier.arrive $0xFFFF  }
0x46: {  	_ =	shalt  }

</sc_bundles>
